<compile_context>
chip_gen: v7x
topology: tpu7x:2x2x1
jax: 0.10.2.dev20260603
libtpu: 0.0.44.dev20260713+nightly
codegen_flags: <defaults>
</compile_context>

<pallas_src>
import jax
import jax.numpy as jnp
from jax import lax
from jax.experimental import pallas as pl
from jax.experimental.pallas import tpu as pltpu
from jax.experimental.pallas import tpu_sc as plsc

_NUM_CLASSES = 1000
_EMB = 64
_NC = 2
_NS = 16
_NW = _NC * _NS
_NB = 2
_NBUF = 4
_SPLITS = ((0, 128), (128, 72))


def _z_body(t_ref, w_ref, b_ref, z_ref):
    t = t_ref[...]
    row = lax.broadcasted_iota(jnp.int32, t.shape, 0)
    t = jnp.where(row == 0, jnp.float32(0.0), t)
    y = lax.dot_general(t, w_ref[...], (((1,), (1,)), ((), ())),
                        preferred_element_type=jnp.float32)
    z_ref[...] = jnp.tanh(y + b_ref[...])


def _compute_z(table, w, b):
    return pl.pallas_call(
        _z_body,
        out_shape=jax.ShapeDtypeStruct((_NUM_CLASSES, _EMB), jnp.float32),
    )(table, w, b.reshape(1, _EMB))


def _gather_body(batch, hist):
    rows_per_chunk = _NB * hist

    def body(z_hbm, idx_hbm, out_hbm, idx_v, rows_v, sem_g, sem_i, sem_w):
        wid = lax.axis_index("s") * _NC + lax.axis_index("c")
        n_chunks = batch // (_NW * _NB)
        base_b = wid * (n_chunks * _NB)

        def fire_gathers(b, boff):
            for bi in range(_NB):
                for (s0, sl) in _SPLITS:
                    pltpu.async_copy(
                        z_hbm.at[idx_v[b].at[pl.ds(bi * hist + s0, sl)]],
                        rows_v[b].at[bi, pl.ds(s0, sl)], sem_g[b])

        def drain_gathers(b, boff):
            pltpu.make_async_copy(out_hbm.at[pl.ds(boff, _NB)],
                                  rows_v[b], sem_g[b]).wait()

        def write_out(b, boff):
            pltpu.async_copy(rows_v[b], out_hbm.at[pl.ds(boff, _NB)],
                             sem_w[b])

        def wait_write(b, boff):
            pltpu.make_async_copy(rows_v[b], out_hbm.at[pl.ds(boff, _NB)],
                                  sem_w[b]).wait()

        def load_idx(b, boff):
            return idx_hbm.at[pl.ds(boff * hist, rows_per_chunk)], idx_v[b]

        def wait_idx(b):
            src, dst = load_idx(b, 0)
            pltpu.make_async_copy(src, dst, sem_i[b]).wait()

        for b in range(_NBUF):
            src, dst = load_idx(b, base_b + b * _NB)
            pltpu.sync_copy(src, dst)
        fire_gathers(0, base_b)
        fire_gathers(1, base_b + _NB)

        def group(q, carry):
            for r in range(_NBUF):
                c = _NBUF * q + r
                boff = base_b + c * _NB
                bn = (r + 2) % _NBUF

                @pl.when(jnp.logical_and(c + 2 < n_chunks, c >= 2))
                def _wait_prev_write():
                    wait_write(bn, boff)

                @pl.when(jnp.logical_and(c + 2 < n_chunks, c + 2 >= _NBUF))
                def _wait_idx():
                    wait_idx(bn)

                @pl.when(c + 2 < n_chunks)
                def _fire_next():
                    fire_gathers(bn, boff + 2 * _NB)

                drain_gathers(r, boff)
                write_out(r, boff)

                @pl.when(c + _NBUF < n_chunks)
                def _prefetch():
                    src, dst = load_idx(r, boff + _NBUF * _NB)
                    pltpu.async_copy(src, dst, sem_i[r])
            return carry

        lax.fori_loop(0, n_chunks // _NBUF, group, 0)

        for b in range(_NBUF):
            wait_write(b, base_b)

    return body


def _sc_gather(z, idx_flat, batch, hist):
    kfn = pl.kernel(
        _gather_body(batch, hist),
        out_type=jax.ShapeDtypeStruct((batch, hist, _EMB), jnp.float32),
        mesh=plsc.VectorSubcoreMesh(core_axis_name="c", subcore_axis_name="s"),
        scratch_types=[
            [pltpu.VMEM((_NB * hist,), jnp.int32) for _ in range(_NBUF)],
            [pltpu.VMEM((_NB, hist, _EMB), jnp.float32)
             for _ in range(_NBUF)],
            [pltpu.SemaphoreType.DMA for _ in range(_NBUF)],
            [pltpu.SemaphoreType.DMA for _ in range(_NBUF)],
            [pltpu.SemaphoreType.DMA for _ in range(_NBUF)],
        ],
        compiler_params=pltpu.CompilerParams(use_tc_tiling_on_sc=False),
    )
    return kfn(z, idx_flat)


def kernel(sentiment, emb_table, W, b):
    batch, hist = sentiment.shape
    z = _compute_z(emb_table, W, b)
    return _sc_gather(z, sentiment.reshape(-1), batch, hist)

# --- scband reference (transcript-rebuilt; emitter-appended) ---
"""Pipeline reference for scband-sentiment-encoder-31447750541520 (READ-ONLY COPY).

The authoritative reference and input builder live on the scoring server;
editing this copy changes nothing except your own understanding.
"""

import jax, jax.numpy as jnp
import numpy as np

NUM_CLASSES = 1000
EMB_DIM = 64
OUT_DIM = 64
BATCH = 16384
HIST = 200


def setup_inputs(seed: int = 0) -> dict:
    key = jax.random.key(seed)
    k1, k2, k3 = jax.random.split(key, 3)
    sentiment = jax.random.randint(k1, (BATCH, HIST), 0, NUM_CLASSES, dtype=jnp.int32)
    emb_table = jax.random.normal(k2, (NUM_CLASSES, EMB_DIM), dtype=jnp.float32) * 0.02
    emb_table = emb_table.at[0].set(0.0)  # padding_idx=0
    W = jax.random.normal(k3, (OUT_DIM, EMB_DIM), dtype=jnp.float32) * 0.05
    b = jnp.zeros((OUT_DIM,), dtype=jnp.float32)
    return {"sentiment": sentiment, "emb_table": emb_table, "W": W, "b": b}


def reference(sentiment, emb_table, W, b):
    # nn.Embedding with padding_idx=0: row 0 is forced to zero
    table = emb_table.at[0].set(0.0)
    e = jnp.take(table, sentiment, axis=0)  # [B, L, emb_dim]
    # nn.Linear: x @ W.T + b
    y = jnp.einsum('bld,od->blo', e, W) + b
    return jnp.tanh(y)

if __name__ == "__main__":
    import jax
    _d = setup_inputs()
    print(jax.jit(kernel)(*tuple(_d.values())))

</pallas_src>

<mosaic_0001>
#map = affine_map<(d0, d1) -> (0, 0)>
#map1 = affine_map<(d0, d1) -> (0)>
#map2 = affine_map<(d0, d1) -> (0, 0, 0)>
module attributes {stable_mosaic.version = 14 : i64} {
  func.func @body(%arg0: i32, %arg1: i32, %arg2: memref<1000x64xf32, #tpu.memory_space<hbm>>, %arg3: memref<3276800xi32, #tpu.memory_space<hbm>>, %arg4: memref<16384x200x64xf32, #tpu.memory_space<hbm>>, %arg5: memref<400xi32, #tpu.memory_space<vmem>>, %arg6: memref<400xi32, #tpu.memory_space<vmem>>, %arg7: memref<400xi32, #tpu.memory_space<vmem>>, %arg8: memref<400xi32, #tpu.memory_space<vmem>>, %arg9: memref<2x200x64xf32, #tpu.memory_space<vmem>>, %arg10: memref<2x200x64xf32, #tpu.memory_space<vmem>>, %arg11: memref<2x200x64xf32, #tpu.memory_space<vmem>>, %arg12: memref<2x200x64xf32, #tpu.memory_space<vmem>>, %arg13: memref<!tpu.dma_semaphore, #tpu.memory_space<semaphore_mem>>, %arg14: memref<!tpu.dma_semaphore, #tpu.memory_space<semaphore_mem>>, %arg15: memref<!tpu.dma_semaphore, #tpu.memory_space<semaphore_mem>>, %arg16: memref<!tpu.dma_semaphore, #tpu.memory_space<semaphore_mem>>, %arg17: memref<!tpu.dma_semaphore, #tpu.memory_space<semaphore_mem>>, %arg18: memref<!tpu.dma_semaphore, #tpu.memory_space<semaphore_mem>>, %arg19: memref<!tpu.dma_semaphore, #tpu.memory_space<semaphore_mem>>, %arg20: memref<!tpu.dma_semaphore, #tpu.memory_space<semaphore_mem>>, %arg21: memref<!tpu.dma_semaphore, #tpu.memory_space<semaphore_mem>>, %arg22: memref<!tpu.dma_semaphore, #tpu.memory_space<semaphore_mem>>, %arg23: memref<!tpu.dma_semaphore, #tpu.memory_space<semaphore_mem>>, %arg24: memref<!tpu.dma_semaphore, #tpu.memory_space<semaphore_mem>>) attributes {dimension_semantics = [#tpu.dimension_semantics<core_parallel>, #tpu.dimension_semantics<subcore_parallel>], iteration_bounds = array<i64: 2, 16>, scalar_prefetch = 0 : i64, scratch_operands = 20 : i64, tpu.core_type = #tpu.core_type<sc_vector_subcore>, window_params = [{transform_indices = #map}, {transform_indices = #map1}, {transform_indices = #map2}]} {
    %mul3A = arith.constant 2 : i32
    %mul3A_0 = arith.muli %arg1, %mul3A : i32
    %add3A = arith.addi %mul3A_0, %arg0 : i32
    %mul3A_1 = arith.constant 512 : i32
    %mul3A_2 = arith.muli %add3A, %mul3A_1 : i32
    %add3A_3 = arith.constant 0 : i32
    %add3A_4 = arith.addi %mul3A_2, %add3A_3 : i32
    %mul3A_5 = arith.constant 200 : i32
    %mul3A_6 = arith.muli %add3A_4, %mul3A_5 : i32
    "tpu.region"() ({
      %run_scoped3A = tpu.sem_alloc : memref<!tpu.dma_semaphore, #tpu.memory_space<semaphore_mem>>
      %dma_start3A_128 = tpu.memref_slice %arg3[%mul3A_6] : memref<3276800xi32, #tpu.memory_space<hbm>> -> memref<400xi32, #tpu.memory_space<hbm>>
      %dma_start3A_129 = tpu.memref_slice %arg3[%mul3A_6] : memref<3276800xi32, #tpu.memory_space<hbm>> -> memref<400xi32, #tpu.memory_space<hbm>>
      tpu.enqueue_dma source(%dma_start3A_129 : memref<400xi32, #tpu.memory_space<hbm>>) target(%arg5 : memref<400xi32, #tpu.memory_space<vmem>>) target_semaphore(%run_scoped3A : memref<!tpu.dma_semaphore, #tpu.memory_space<semaphore_mem>>)
      %dma_wait3A_130 = tpu.memref_slice %arg3[%mul3A_6] : memref<3276800xi32, #tpu.memory_space<hbm>> -> memref<400xi32, #tpu.memory_space<hbm>>
      %dma_wait3A_131 = tpu.memref_slice %arg3[%mul3A_6] : memref<3276800xi32, #tpu.memory_space<hbm>> -> memref<400xi32, #tpu.memory_space<hbm>>
      tpu.wait_dma2 semaphore(%run_scoped3A : memref<!tpu.dma_semaphore, #tpu.memory_space<semaphore_mem>>) src(%dma_wait3A_131 : memref<400xi32, #tpu.memory_space<hbm>>) dst(%arg5 : memref<400xi32, #tpu.memory_space<vmem>>)
      tpu.yield
    }) : () -> ()
    %add3A_7 = arith.constant 2 : i32
    %add3A_8 = arith.addi %mul3A_2, %add3A_7 : i32
    %mul3A_9 = arith.constant 200 : i32
    %mul3A_10 = arith.muli %add3A_8, %mul3A_9 : i32
    "tpu.region"() ({
      %run_scoped3A = tpu.sem_alloc : memref<!tpu.dma_semaphore, #tpu.memory_space<semaphore_mem>>
      %dma_start3A_128 = tpu.memref_slice %arg3[%mul3A_10] : memref<3276800xi32, #tpu.memory_space<hbm>> -> memref<400xi32, #tpu.memory_space<hbm>>
      %dma_start3A_129 = tpu.memref_slice %arg3[%mul3A_10] : memref<3276800xi32, #tpu.memory_space<hbm>> -> memref<400xi32, #tpu.memory_space<hbm>>
      tpu.enqueue_dma source(%dma_start3A_129 : memref<400xi32, #tpu.memory_space<hbm>>) target(%arg6 : memref<400xi32, #tpu.memory_space<vmem>>) target_semaphore(%run_scoped3A : memref<!tpu.dma_semaphore, #tpu.memory_space<semaphore_mem>>)
      %dma_wait3A_130 = tpu.memref_slice %arg3[%mul3A_10] : memref<3276800xi32, #tpu.memory_space<hbm>> -> memref<400xi32, #tpu.memory_space<hbm>>
      %dma_wait3A_131 = tpu.memref_slice %arg3[%mul3A_10] : memref<3276800xi32, #tpu.memory_space<hbm>> -> memref<400xi32, #tpu.memory_space<hbm>>
      tpu.wait_dma2 semaphore(%run_scoped3A : memref<!tpu.dma_semaphore, #tpu.memory_space<semaphore_mem>>) src(%dma_wait3A_131 : memref<400xi32, #tpu.memory_space<hbm>>) dst(%arg6 : memref<400xi32, #tpu.memory_space<vmem>>)
      tpu.yield
    }) : () -> ()
    %add3A_11 = arith.constant 4 : i32
    %add3A_12 = arith.addi %mul3A_2, %add3A_11 : i32
    %mul3A_13 = arith.constant 200 : i32
    %mul3A_14 = arith.muli %add3A_12, %mul3A_13 : i32
    "tpu.region"() ({
      %run_scoped3A = tpu.sem_alloc : memref<!tpu.dma_semaphore, #tpu.memory_space<semaphore_mem>>
      %dma_start3A_128 = tpu.memref_slice %arg3[%mul3A_14] : memref<3276800xi32, #tpu.memory_space<hbm>> -> memref<400xi32, #tpu.memory_space<hbm>>
      %dma_start3A_129 = tpu.memref_slice %arg3[%mul3A_14] : memref<3276800xi32, #tpu.memory_space<hbm>> -> memref<400xi32, #tpu.memory_space<hbm>>
      tpu.enqueue_dma source(%dma_start3A_129 : memref<400xi32, #tpu.memory_space<hbm>>) target(%arg7 : memref<400xi32, #tpu.memory_space<vmem>>) target_semaphore(%run_scoped3A : memref<!tpu.dma_semaphore, #tpu.memory_space<semaphore_mem>>)
      %dma_wait3A_130 = tpu.memref_slice %arg3[%mul3A_14] : memref<3276800xi32, #tpu.memory_space<hbm>> -> memref<400xi32, #tpu.memory_space<hbm>>
      %dma_wait3A_131 = tpu.memref_slice %arg3[%mul3A_14] : memref<3276800xi32, #tpu.memory_space<hbm>> -> memref<400xi32, #tpu.memory_space<hbm>>
      tpu.wait_dma2 semaphore(%run_scoped3A : memref<!tpu.dma_semaphore, #tpu.memory_space<semaphore_mem>>) src(%dma_wait3A_131 : memref<400xi32, #tpu.memory_space<hbm>>) dst(%arg7 : memref<400xi32, #tpu.memory_space<vmem>>)
      tpu.yield
    }) : () -> ()
    %add3A_15 = arith.constant 6 : i32
    %add3A_16 = arith.addi %mul3A_2, %add3A_15 : i32
    %mul3A_17 = arith.constant 200 : i32
    %mul3A_18 = arith.muli %add3A_16, %mul3A_17 : i32
    "tpu.region"() ({
      %run_scoped3A = tpu.sem_alloc : memref<!tpu.dma_semaphore, #tpu.memory_space<semaphore_mem>>
      %dma_start3A_128 = tpu.memref_slice %arg3[%mul3A_18] : memref<3276800xi32, #tpu.memory_space<hbm>> -> memref<400xi32, #tpu.memory_space<hbm>>
      %dma_start3A_129 = tpu.memref_slice %arg3[%mul3A_18] : memref<3276800xi32, #tpu.memory_space<hbm>> -> memref<400xi32, #tpu.memory_space<hbm>>
      tpu.enqueue_dma source(%dma_start3A_129 : memref<400xi32, #tpu.memory_space<hbm>>) target(%arg8 : memref<400xi32, #tpu.memory_space<vmem>>) target_semaphore(%run_scoped3A : memref<!tpu.dma_semaphore, #tpu.memory_space<semaphore_mem>>)
      %dma_wait3A_130 = tpu.memref_slice %arg3[%mul3A_18] : memref<3276800xi32, #tpu.memory_space<hbm>> -> memref<400xi32, #tpu.memory_space<hbm>>
      %dma_wait3A_131 = tpu.memref_slice %arg3[%mul3A_18] : memref<3276800xi32, #tpu.memory_space<hbm>> -> memref<400xi32, #tpu.memory_space<hbm>>
      tpu.wait_dma2 semaphore(%run_scoped3A : memref<!tpu.dma_semaphore, #tpu.memory_space<semaphore_mem>>) src(%dma_wait3A_131 : memref<400xi32, #tpu.memory_space<hbm>>) dst(%arg8 : memref<400xi32, #tpu.memory_space<vmem>>)
      tpu.yield
    }) : () -> ()
    %dma_start3A = arith.constant 0 : i32
    %dma_start3A_19 = arith.constant 0 : i32
    %dma_start3A_20 = arith.constant 0 : i32
    %dma_start3A_21 = tpu.memref_slice %arg9[%dma_start3A, %dma_start3A_19, %dma_start3A_20] : memref<2x200x64xf32, #tpu.memory_space<vmem>> -> memref<1x128x64xf32, #tpu.memory_space<vmem>>
    %dma_start3A_22 = tpu.memref_squeeze %dma_start3A_21 : memref<1x128x64xf32, #tpu.memory_space<vmem>> -> memref<128x64xf32, #tpu.memory_space<vmem>>
    %dma_start3A_23 = arith.constant 0 : i32
    %dma_start3A_24 = tpu.memref_slice %arg5[%dma_start3A_23] : memref<400xi32, #tpu.memory_space<vmem>> -> memref<128xi32, #tpu.memory_space<vmem>>
    %dma_start3A_25 = arith.constant 0 : i32
    %dma_start3A_26 = arith.constant 0 : i32
    %dma_start3A_27 = tpu.memref_slice %arg2[%dma_start3A_25, %dma_start3A_26] : memref<1000x64xf32, #tpu.memory_space<hbm>> -> memref<1000x64xf32, #tpu.memory_space<hbm>>
    tpu.enqueue_indirect_dma source(%dma_start3A_27 : memref<1000x64xf32, #tpu.memory_space<hbm>>) target(%dma_start3A_22 : memref<128x64xf32, #tpu.memory_space<vmem>>) offsets(%dma_start3A_24 : memref<128xi32, #tpu.memory_space<vmem>>) semaphore(%arg13 : memref<!tpu.dma_semaphore, #tpu.memory_space<semaphore_mem>>)
    %dma_start3A_28 = arith.constant 0 : i32
    %dma_start3A_29 = arith.constant 128 : i32
    %dma_start3A_30 = arith.constant 0 : i32
    %dma_start3A_31 = tpu.memref_slice %arg9[%dma_start3A_28, %dma_start3A_29, %dma_start3A_30] : memref<2x200x64xf32, #tpu.memory_space<vmem>> -> memref<1x72x64xf32, #tpu.memory_space<vmem>>
    %dma_start3A_32 = tpu.memref_squeeze %dma_start3A_31 : memref<1x72x64xf32, #tpu.memory_space<vmem>> -> memref<72x64xf32, #tpu.memory_space<vmem>>
    %dma_start3A_33 = arith.constant 128 : i32
    %dma_start3A_34 = tpu.memref_slice %arg5[%dma_start3A_33] : memref<400xi32, #tpu.memory_space<vmem>> -> memref<72xi32, #tpu.memory_space<vmem>>
    %dma_start3A_35 = arith.constant 0 : i32
    %dma_start3A_36 = arith.constant 0 : i32
    %dma_start3A_37 = tpu.memref_slice %arg2[%dma_start3A_35, %dma_start3A_36] : memref<1000x64xf32, #tpu.memory_space<hbm>> -> memref<1000x64xf32, #tpu.memory_space<hbm>>
    tpu.enqueue_indirect_dma source(%dma_start3A_37 : memref<1000x64xf32, #tpu.memory_space<hbm>>) target(%dma_start3A_32 : memref<72x64xf32, #tpu.memory_space<vmem>>) offsets(%dma_start3A_34 : memref<72xi32, #tpu.memory_space<vmem>>) semaphore(%arg13 : memref<!tpu.dma_semaphore, #tpu.memory_space<semaphore_mem>>)
    %dma_start3A_38 = arith.constant 1 : i32
    %dma_start3A_39 = arith.constant 0 : i32
    %dma_start3A_40 = arith.constant 0 : i32
    %dma_start3A_41 = tpu.memref_slice %arg9[%dma_start3A_38, %dma_start3A_39, %dma_start3A_40] : memref<2x200x64xf32, #tpu.memory_space<vmem>> -> memref<1x128x64xf32, #tpu.memory_space<vmem>>
    %dma_start3A_42 = tpu.memref_squeeze %dma_start3A_41 : memref<1x128x64xf32, #tpu.memory_space<vmem>> -> memref<128x64xf32, #tpu.memory_space<vmem>>
    %dma_start3A_43 = arith.constant 200 : i32
    %dma_start3A_44 = tpu.memref_slice %arg5[%dma_start3A_43] : memref<400xi32, #tpu.memory_space<vmem>> -> memref<128xi32, #tpu.memory_space<vmem>>
    %dma_start3A_45 = arith.constant 0 : i32
    %dma_start3A_46 = arith.constant 0 : i32
    %dma_start3A_47 = tpu.memref_slice %arg2[%dma_start3A_45, %dma_start3A_46] : memref<1000x64xf32, #tpu.memory_space<hbm>> -> memref<1000x64xf32, #tpu.memory_space<hbm>>
    tpu.enqueue_indirect_dma source(%dma_start3A_47 : memref<1000x64xf32, #tpu.memory_space<hbm>>) target(%dma_start3A_42 : memref<128x64xf32, #tpu.memory_space<vmem>>) offsets(%dma_start3A_44 : memref<128xi32, #tpu.memory_space<vmem>>) semaphore(%arg13 : memref<!tpu.dma_semaphore, #tpu.memory_space<semaphore_mem>>)
    %dma_start3A_48 = arith.constant 1 : i32
    %dma_start3A_49 = arith.constant 128 : i32
    %dma_start3A_50 = arith.constant 0 : i32
    %dma_start3A_51 = tpu.memref_slice %arg9[%dma_start3A_48, %dma_start3A_49, %dma_start3A_50] : memref<2x200x64xf32, #tpu.memory_space<vmem>> -> memref<1x72x64xf32, #tpu.memory_space<vmem>>
    %dma_start3A_52 = tpu.memref_squeeze %dma_start3A_51 : memref<1x72x64xf32, #tpu.memory_space<vmem>> -> memref<72x64xf32, #tpu.memory_space<vmem>>
    %dma_start3A_53 = arith.constant 328 : i32
    %dma_start3A_54 = tpu.memref_slice %arg5[%dma_start3A_53] : memref<400xi32, #tpu.memory_space<vmem>> -> memref<72xi32, #tpu.memory_space<vmem>>
    %dma_start3A_55 = arith.constant 0 : i32
    %dma_start3A_56 = arith.constant 0 : i32
    %dma_start3A_57 = tpu.memref_slice %arg2[%dma_start3A_55, %dma_start3A_56] : memref<1000x64xf32, #tpu.memory_space<hbm>> -> memref<1000x64xf32, #tpu.memory_space<hbm>>
    tpu.enqueue_indirect_dma source(%dma_start3A_57 : memref<1000x64xf32, #tpu.memory_space<hbm>>) target(%dma_start3A_52 : memref<72x64xf32, #tpu.memory_space<vmem>>) offsets(%dma_start3A_54 : memref<72xi32, #tpu.memory_space<vmem>>) semaphore(%arg13 : memref<!tpu.dma_semaphore, #tpu.memory_space<semaphore_mem>>)
    %add3A_58 = arith.constant 2 : i32
    %add3A_59 = arith.addi %mul3A_2, %add3A_58 : i32
    %dma_start3A_60 = arith.constant 0 : i32
    %dma_start3A_61 = arith.constant 0 : i32
    %dma_start3A_62 = arith.constant 0 : i32
    %dma_start3A_63 = tpu.memref_slice %arg10[%dma_start3A_60, %dma_start3A_61, %dma_start3A_62] : memref<2x200x64xf32, #tpu.memory_space<vmem>> -> memref<1x128x64xf32, #tpu.memory_space<vmem>>
    %dma_start3A_64 = tpu.memref_squeeze %dma_start3A_63 : memref<1x128x64xf32, #tpu.memory_space<vmem>> -> memref<128x64xf32, #tpu.memory_space<vmem>>
    %dma_start3A_65 = arith.constant 0 : i32
    %dma_start3A_66 = tpu.memref_slice %arg6[%dma_start3A_65] : memref<400xi32, #tpu.memory_space<vmem>> -> memref<128xi32, #tpu.memory_space<vmem>>
    %dma_start3A_67 = arith.constant 0 : i32
    %dma_start3A_68 = arith.constant 0 : i32
    %dma_start3A_69 = tpu.memref_slice %arg2[%dma_start3A_67, %dma_start3A_68] : memref<1000x64xf32, #tpu.memory_space<hbm>> -> memref<1000x64xf32, #tpu.memory_space<hbm>>
    tpu.enqueue_indirect_dma source(%dma_start3A_69 : memref<1000x64xf32, #tpu.memory_space<hbm>>) target(%dma_start3A_64 : memref<128x64xf32, #tpu.memory_space<vmem>>) offsets(%dma_start3A_66 : memref<128xi32, #tpu.memory_space<vmem>>) semaphore(%arg14 : memref<!tpu.dma_semaphore, #tpu.memory_space<semaphore_mem>>)
    %dma_start3A_70 = arith.constant 0 : i32
    %dma_start3A_71 = arith.constant 128 : i32
    %dma_start3A_72 = arith.constant 0 : i32
    %dma_start3A_73 = tpu.memref_slice %arg10[%dma_start3A_70, %dma_start3A_71, %dma_start3A_72] : memref<2x200x64xf32, #tpu.memory_space<vmem>> -> memref<1x72x64xf32, #tpu.memory_space<vmem>>
    %dma_start3A_74 = tpu.memref_squeeze %dma_start3A_73 : memref<1x72x64xf32, #tpu.memory_space<vmem>> -> memref<72x64xf32, #tpu.memory_space<vmem>>
    %dma_start3A_75 = arith.constant 128 : i32
    %dma_start3A_76 = tpu.memref_slice %arg6[%dma_start3A_75] : memref<400xi32, #tpu.memory_space<vmem>> -> memref<72xi32, #tpu.memory_space<vmem>>
    %dma_start3A_77 = arith.constant 0 : i32
    %dma_start3A_78 = arith.constant 0 : i32
    %dma_start3A_79 = tpu.memref_slice %arg2[%dma_start3A_77, %dma_start3A_78] : memref<1000x64xf32, #tpu.memory_space<hbm>> -> memref<1000x64xf32, #tpu.memory_space<hbm>>
    tpu.enqueue_indirect_dma source(%dma_start3A_79 : memref<1000x64xf32, #tpu.memory_space<hbm>>) target(%dma_start3A_74 : memref<72x64xf32, #tpu.memory_space<vmem>>) offsets(%dma_start3A_76 : memref<72xi32, #tpu.memory_space<vmem>>) semaphore(%arg14 : memref<!tpu.dma_semaphore, #tpu.memory_space<semaphore_mem>>)
    %dma_start3A_80 = arith.constant 1 : i32
    %dma_start3A_81 = arith.constant 0 : i32
    %dma_start3A_82 = arith.constant 0 : i32
    %dma_start3A_83 = tpu.memref_slice %arg10[%dma_start3A_80, %dma_start3A_81, %dma_start3A_82] : memref<2x200x64xf32, #tpu.memory_space<vmem>> -> memref<1x128x64xf32, #tpu.memory_space<vmem>>
    %dma_start3A_84 = tpu.memref_squeeze %dma_start3A_83 : memref<1x128x64xf32, #tpu.memory_space<vmem>> -> memref<128x64xf32, #tpu.memory_space<vmem>>
    %dma_start3A_85 = arith.constant 200 : i32
    %dma_start3A_86 = tpu.memref_slice %arg6[%dma_start3A_85] : memref<400xi32, #tpu.memory_space<vmem>> -> memref<128xi32, #tpu.memory_space<vmem>>
    %dma_start3A_87 = arith.constant 0 : i32
    %dma_start3A_88 = arith.constant 0 : i32
    %dma_start3A_89 = tpu.memref_slice %arg2[%dma_start3A_87, %dma_start3A_88] : memref<1000x64xf32, #tpu.memory_space<hbm>> -> memref<1000x64xf32, #tpu.memory_space<hbm>>
    tpu.enqueue_indirect_dma source(%dma_start3A_89 : memref<1000x64xf32, #tpu.memory_space<hbm>>) target(%dma_start3A_84 : memref<128x64xf32, #tpu.memory_space<vmem>>) offsets(%dma_start3A_86 : memref<128xi32, #tpu.memory_space<vmem>>) semaphore(%arg14 : memref<!tpu.dma_semaphore, #tpu.memory_space<semaphore_mem>>)
    %dma_start3A_90 = arith.constant 1 : i32
    %dma_start3A_91 = arith.constant 128 : i32
    %dma_start3A_92 = arith.constant 0 : i32
    %dma_start3A_93 = tpu.memref_slice %arg10[%dma_start3A_90, %dma_start3A_91, %dma_start3A_92] : memref<2x200x64xf32, #tpu.memory_space<vmem>> -> memref<1x72x64xf32, #tpu.memory_space<vmem>>
    %dma_start3A_94 = tpu.memref_squeeze %dma_start3A_93 : memref<1x72x64xf32, #tpu.memory_space<vmem>> -> memref<72x64xf32, #tpu.memory_space<vmem>>
    %dma_start3A_95 = arith.constant 328 : i32
    %dma_start3A_96 = tpu.memref_slice %arg6[%dma_start3A_95] : memref<400xi32, #tpu.memory_space<vmem>> -> memref<72xi32, #tpu.memory_space<vmem>>
    %dma_start3A_97 = arith.constant 0 : i32
    %dma_start3A_98 = arith.constant 0 : i32
    %dma_start3A_99 = tpu.memref_slice %arg2[%dma_start3A_97, %dma_start3A_98] : memref<1000x64xf32, #tpu.memory_space<hbm>> -> memref<1000x64xf32, #tpu.memory_space<hbm>>
    tpu.enqueue_indirect_dma source(%dma_start3A_99 : memref<1000x64xf32, #tpu.memory_space<hbm>>) target(%dma_start3A_94 : memref<72x64xf32, #tpu.memory_space<vmem>>) offsets(%dma_start3A_96 : memref<72xi32, #tpu.memory_space<vmem>>) semaphore(%arg14 : memref<!tpu.dma_semaphore, #tpu.memory_space<semaphore_mem>>)
    %scan3A = arith.constant 0 : i32
    %scan3A_100 = arith.constant 0 : i32
    %scan3A_101 = arith.constant 64 : i32
    %scan3A_102 = arith.addi %scan3A_100, %scan3A_101 : i32
    %scan3A_103 = arith.constant 1 : i32
    scf.for %scan3A_128 = %scan3A_100 to %scan3A_102 step %scan3A_103  : i32 {
      %mul3A_129 = arith.constant 4 : i32
      %mul3A_130 = arith.muli %mul3A_129, %scan3A_128 : i32
      %add3A_131 = arith.constant 0 : i32
      %add3A_132 = arith.addi %mul3A_130, %add3A_131 : i32
      %mul3A_133 = arith.constant 2 : i32
      %mul3A_134 = arith.muli %add3A_132, %mul3A_133 : i32
      %add3A_135 = arith.addi %mul3A_2, %mul3A_134 : i32
      %add3A_136 = arith.constant 2 : i32
      %add3A_137 = arith.addi %add3A_132, %add3A_136 : i32
      %lt3A = arith.constant 256 : i32
      %lt3A_138 = arith.cmpi slt, %add3A_137, %lt3A : i32
      %ge3A = arith.constant 2 : i32
      %ge3A_139 = arith.cmpi sge, %add3A_132, %ge3A : i32
      %and3A = arith.andi %lt3A_138, %ge3A_139 : i1
      %convert_element_type3A = arith.extui %and3A : i1 to i32
      %cond3A = arith.constant 0 : i32
      %cond3A_140 = arith.cmpi ne, %convert_element_type3A, %cond3A : i32
      scf.if %cond3A_140 {
        %dma_wait3A_344 = arith.constant 0 : i32
        %dma_wait3A_345 = arith.constant 0 : i32
        %dma_wait3A_346 = tpu.memref_slice %arg4[%add3A_135, %dma_wait3A_344, %dma_wait3A_345] : memref<16384x200x64xf32, #tpu.memory_space<hbm>> -> memref<2x200x64xf32, #tpu.memory_space<hbm>>
        %dma_wait3A_347 = arith.constant 0 : i32
        %dma_wait3A_348 = arith.constant 0 : i32
        %dma_wait3A_349 = tpu.memref_slice %arg4[%add3A_135, %dma_wait3A_347, %dma_wait3A_348] : memref<16384x200x64xf32, #tpu.memory_space<hbm>> -> memref<2x200x64xf32, #tpu.memory_space<hbm>>
        tpu.wait_dma2 semaphore(%arg23 : memref<!tpu.dma_semaphore, #tpu.memory_space<semaphore_mem>>) src(%arg11 : memref<2x200x64xf32, #tpu.memory_space<vmem>>) dst(%dma_wait3A_349 : memref<2x200x64xf32, #tpu.memory_space<hbm>>)
      } else {
      }
      %add3A_141 = arith.constant 2 : i32
      %add3A_142 = arith.addi %add3A_132, %add3A_141 : i32
      %lt3A_143 = arith.constant 256 : i32
      %lt3A_144 = arith.cmpi slt, %add3A_142, %lt3A_143 : i32
      %add3A_145 = arith.constant 2 : i32
      %add3A_146 = arith.addi %add3A_132, %add3A_145 : i32
      %ge3A_147 = arith.constant 4 : i32
      %ge3A_148 = arith.cmpi sge, %add3A_146, %ge3A_147 : i32
      %and3A_149 = arith.andi %lt3A_144, %ge3A_148 : i1
      %convert_element_type3A_150 = arith.extui %and3A_149 : i1 to i32
      %cond3A_151 = arith.constant 0 : i32
      %cond3A_152 = arith.cmpi ne, %convert_element_type3A_150, %cond3A_151 : i32
      scf.if %cond3A_152 {
        %dma_wait3A_344 = arith.constant 0 : i32
        %dma_wait3A_345 = tpu.memref_slice %arg3[%dma_wait3A_344] : memref<3276800xi32, #tpu.memory_space<hbm>> -> memref<400xi32, #tpu.memory_space<hbm>>
        %dma_wait3A_346 = arith.constant 0 : i32
        %dma_wait3A_347 = tpu.memref_slice %arg3[%dma_wait3A_346] : memref<3276800xi32, #tpu.memory_space<hbm>> -> memref<400xi32, #tpu.memory_space<hbm>>
        tpu.wait_dma2 semaphore(%arg19 : memref<!tpu.dma_semaphore, #tpu.memory_space<semaphore_mem>>) src(%dma_wait3A_347 : memref<400xi32, #tpu.memory_space<hbm>>) dst(%arg7 : memref<400xi32, #tpu.memory_space<vmem>>)
      } else {
      }
      %add3A_153 = arith.constant 2 : i32
      %add3A_154 = arith.addi %add3A_132, %add3A_153 : i32
      %lt3A_155 = arith.constant 256 : i32
      %lt3A_156 = arith.cmpi slt, %add3A_154, %lt3A_155 : i32
      %convert_element_type3A_157 = arith.extui %lt3A_156 : i1 to i32
      %cond3A_158 = arith.constant 0 : i32
      %cond3A_159 = arith.cmpi ne, %convert_element_type3A_157, %cond3A_158 : i32
      scf.if %cond3A_159 {
        %add3A_344 = arith.constant 4 : i32
        %add3A_345 = arith.addi %add3A_135, %add3A_344 : i32
        %dma_start3A_346 = arith.constant 0 : i32
        %dma_start3A_347 = arith.constant 0 : i32
        %dma_start3A_348 = arith.constant 0 : i32
        %dma_start3A_349 = tpu.memref_slice %arg11[%dma_start3A_346, %dma_start3A_347, %dma_start3A_348] : memref<2x200x64xf32, #tpu.memory_space<vmem>> -> memref<1x128x64xf32, #tpu.memory_space<vmem>>
        %dma_start3A_350 = tpu.memref_squeeze %dma_start3A_349 : memref<1x128x64xf32, #tpu.memory_space<vmem>> -> memref<128x64xf32, #tpu.memory_space<vmem>>
        %dma_start3A_351 = arith.constant 0 : i32
        %dma_start3A_352 = tpu.memref_slice %arg7[%dma_start3A_351] : memref<400xi32, #tpu.memory_space<vmem>> -> memref<128xi32, #tpu.memory_space<vmem>>
        %dma_start3A_353 = arith.constant 0 : i32
        %dma_start3A_354 = arith.constant 0 : i32
        %dma_start3A_355 = tpu.memref_slice %arg2[%dma_start3A_353, %dma_start3A_354] : memref<1000x64xf32, #tpu.memory_space<hbm>> -> memref<1000x64xf32, #tpu.memory_space<hbm>>
        tpu.enqueue_indirect_dma source(%dma_start3A_355 : memref<1000x64xf32, #tpu.memory_space<hbm>>) target(%dma_start3A_350 : memref<128x64xf32, #tpu.memory_space<vmem>>) offsets(%dma_start3A_352 : memref<128xi32, #tpu.memory_space<vmem>>) semaphore(%arg15 : memref<!tpu.dma_semaphore, #tpu.memory_space<semaphore_mem>>)
        %dma_start3A_356 = arith.constant 0 : i32
        %dma_start3A_357 = arith.constant 128 : i32
        %dma_start3A_358 = arith.constant 0 : i32
        %dma_start3A_359 = tpu.memref_slice %arg11[%dma_start3A_356, %dma_start3A_357, %dma_start3A_358] : memref<2x200x64xf32, #tpu.memory_space<vmem>> -> memref<1x72x64xf32, #tpu.memory_space<vmem>>
        %dma_start3A_360 = tpu.memref_squeeze %dma_start3A_359 : memref<1x72x64xf32, #tpu.memory_space<vmem>> -> memref<72x64xf32, #tpu.memory_space<vmem>>
        %dma_start3A_361 = arith.constant 128 : i32
        %dma_start3A_362 = tpu.memref_slice %arg7[%dma_start3A_361] : memref<400xi32, #tpu.memory_space<vmem>> -> memref<72xi32, #tpu.memory_space<vmem>>
        %dma_start3A_363 = arith.constant 0 : i32
        %dma_start3A_364 = arith.constant 0 : i32
        %dma_start3A_365 = tpu.memref_slice %arg2[%dma_start3A_363, %dma_start3A_364] : memref<1000x64xf32, #tpu.memory_space<hbm>> -> memref<1000x64xf32, #tpu.memory_space<hbm>>
        tpu.enqueue_indirect_dma source(%dma_start3A_365 : memref<1000x64xf32, #tpu.memory_space<hbm>>) target(%dma_start3A_360 : memref<72x64xf32, #tpu.memory_space<vmem>>) offsets(%dma_start3A_362 : memref<72xi32, #tpu.memory_space<vmem>>) semaphore(%arg15 : memref<!tpu.dma_semaphore, #tpu.memory_space<semaphore_mem>>)
        %dma_start3A_366 = arith.constant 1 : i32
        %dma_start3A_367 = arith.constant 0 : i32
        %dma_start3A_368 = arith.constant 0 : i32
        %dma_start3A_369 = tpu.memref_slice %arg11[%dma_start3A_366, %dma_start3A_367, %dma_start3A_368] : memref<2x200x64xf32, #tpu.memory_space<vmem>> -> memref<1x128x64xf32, #tpu.memory_space<vmem>>
        %dma_start3A_370 = tpu.memref_squeeze %dma_start3A_369 : memref<1x128x64xf32, #tpu.memory_space<vmem>> -> memref<128x64xf32, #tpu.memory_space<vmem>>
        %dma_start3A_371 = arith.constant 200 : i32
        %dma_start3A_372 = tpu.memref_slice %arg7[%dma_start3A_371] : memref<400xi32, #tpu.memory_space<vmem>> -> memref<128xi32, #tpu.memory_space<vmem>>
        %dma_start3A_373 = arith.constant 0 : i32
        %dma_start3A_374 = arith.constant 0 : i32
        %dma_start3A_375 = tpu.memref_slice %arg2[%dma_start3A_373, %dma_start3A_374] : memref<1000x64xf32, #tpu.memory_space<hbm>> -> memref<1000x64xf32, #tpu.memory_space<hbm>>
        tpu.enqueue_indirect_dma source(%dma_start3A_375 : memref<1000x64xf32, #tpu.memory_space<hbm>>) target(%dma_start3A_370 : memref<128x64xf32, #tpu.memory_space<vmem>>) offsets(%dma_start3A_372 : memref<128xi32, #tpu.memory_space<vmem>>) semaphore(%arg15 : memref<!tpu.dma_semaphore, #tpu.memory_space<semaphore_mem>>)
        %dma_start3A_376 = arith.constant 1 : i32
        %dma_start3A_377 = arith.constant 128 : i32
        %dma_start3A_378 = arith.constant 0 : i32
        %dma_start3A_379 = tpu.memref_slice %arg11[%dma_start3A_376, %dma_start3A_377, %dma_start3A_378] : memref<2x200x64xf32, #tpu.memory_space<vmem>> -> memref<1x72x64xf32, #tpu.memory_space<vmem>>
        %dma_start3A_380 = tpu.memref_squeeze %dma_start3A_379 : memref<1x72x64xf32, #tpu.memory_space<vmem>> -> memref<72x64xf32, #tpu.memory_space<vmem>>
        %dma_start3A_381 = arith.constant 328 : i32
        %dma_start3A_382 = tpu.memref_slice %arg7[%dma_start3A_381] : memref<400xi32, #tpu.memory_space<vmem>> -> memref<72xi32, #tpu.memory_space<vmem>>
        %dma_start3A_383 = arith.constant 0 : i32
        %dma_start3A_384 = arith.constant 0 : i32
        %dma_start3A_385 = tpu.memref_slice %arg2[%dma_start3A_383, %dma_start3A_384] : memref<1000x64xf32, #tpu.memory_space<hbm>> -> memref<1000x64xf32, #tpu.memory_space<hbm>>
        tpu.enqueue_indirect_dma source(%dma_start3A_385 : memref<1000x64xf32, #tpu.memory_space<hbm>>) target(%dma_start3A_380 : memref<72x64xf32, #tpu.memory_space<vmem>>) offsets(%dma_start3A_382 : memref<72xi32, #tpu.memory_space<vmem>>) semaphore(%arg15 : memref<!tpu.dma_semaphore, #tpu.memory_space<semaphore_mem>>)
      } else {
      }
      %dma_wait3A_160 = arith.constant 0 : i32
      %dma_wait3A_161 = arith.constant 0 : i32
      %dma_wait3A_162 = tpu.memref_slice %arg4[%add3A_135, %dma_wait3A_160, %dma_wait3A_161] : memref<16384x200x64xf32, #tpu.memory_space<hbm>> -> memref<2x200x64xf32, #tpu.memory_space<hbm>>
      %dma_wait3A_163 = arith.constant 0 : i32
      %dma_wait3A_164 = arith.constant 0 : i32
      %dma_wait3A_165 = tpu.memref_slice %arg4[%add3A_135, %dma_wait3A_163, %dma_wait3A_164] : memref<16384x200x64xf32, #tpu.memory_space<hbm>> -> memref<2x200x64xf32, #tpu.memory_space<hbm>>
      tpu.wait_dma2 semaphore(%arg13 : memref<!tpu.dma_semaphore, #tpu.memory_space<semaphore_mem>>) src(%dma_wait3A_165 : memref<2x200x64xf32, #tpu.memory_space<hbm>>) dst(%arg9 : memref<2x200x64xf32, #tpu.memory_space<vmem>>)
      %dma_start3A_166 = arith.constant 0 : i32
      %dma_start3A_167 = arith.constant 0 : i32
      %dma_start3A_168 = tpu.memref_slice %arg4[%add3A_135, %dma_start3A_166, %dma_start3A_167] : memref<16384x200x64xf32, #tpu.memory_space<hbm>> -> memref<2x200x64xf32, #tpu.memory_space<hbm>>
      %dma_start3A_169 = arith.constant 0 : i32
      %dma_start3A_170 = arith.constant 0 : i32
      %dma_start3A_171 = tpu.memref_slice %arg4[%add3A_135, %dma_start3A_169, %dma_start3A_170] : memref<16384x200x64xf32, #tpu.memory_space<hbm>> -> memref<2x200x64xf32, #tpu.memory_space<hbm>>
      tpu.enqueue_dma source(%arg9 : memref<2x200x64xf32, #tpu.memory_space<vmem>>) target(%dma_start3A_171 : memref<2x200x64xf32, #tpu.memory_space<hbm>>) target_semaphore(%arg21 : memref<!tpu.dma_semaphore, #tpu.memory_space<semaphore_mem>>)
      %add3A_172 = arith.constant 4 : i32
      %add3A_173 = arith.addi %add3A_132, %add3A_172 : i32
      %lt3A_174 = arith.constant 256 : i32
      %lt3A_175 = arith.cmpi slt, %add3A_173, %lt3A_174 : i32
      %convert_element_type3A_176 = arith.extui %lt3A_175 : i1 to i32
      %cond3A_177 = arith.constant 0 : i32
      %cond3A_178 = arith.cmpi ne, %convert_element_type3A_176, %cond3A_177 : i32
      scf.if %cond3A_178 {
        %add3A_344 = arith.constant 8 : i32
        %add3A_345 = arith.addi %add3A_135, %add3A_344 : i32
        %mul3A_346 = arith.constant 200 : i32
        %mul3A_347 = arith.muli %add3A_345, %mul3A_346 : i32
        %dma_start3A_348 = tpu.memref_slice %arg3[%mul3A_347] : memref<3276800xi32, #tpu.memory_space<hbm>> -> memref<400xi32, #tpu.memory_space<hbm>>
        %dma_start3A_349 = tpu.memref_slice %arg3[%mul3A_347] : memref<3276800xi32, #tpu.memory_space<hbm>> -> memref<400xi32, #tpu.memory_space<hbm>>
        tpu.enqueue_dma source(%dma_start3A_349 : memref<400xi32, #tpu.memory_space<hbm>>) target(%arg5 : memref<400xi32, #tpu.memory_space<vmem>>) target_semaphore(%arg17 : memref<!tpu.dma_semaphore, #tpu.memory_space<semaphore_mem>>)
      } else {
      }
      %mul3A_179 = arith.constant 4 : i32
      %mul3A_180 = arith.muli %mul3A_179, %scan3A_128 : i32
      %add3A_181 = arith.constant 1 : i32
      %add3A_182 = arith.addi %mul3A_180, %add3A_181 : i32
      %mul3A_183 = arith.constant 2 : i32
      %mul3A_184 = arith.muli %add3A_182, %mul3A_183 : i32
      %add3A_185 = arith.addi %mul3A_2, %mul3A_184 : i32
      %add3A_186 = arith.constant 2 : i32
      %add3A_187 = arith.addi %add3A_182, %add3A_186 : i32
      %lt3A_188 = arith.constant 256 : i32
      %lt3A_189 = arith.cmpi slt, %add3A_187, %lt3A_188 : i32
      %ge3A_190 = arith.constant 2 : i32
      %ge3A_191 = arith.cmpi sge, %add3A_182, %ge3A_190 : i32
      %and3A_192 = arith.andi %lt3A_189, %ge3A_191 : i1
      %convert_element_type3A_193 = arith.extui %and3A_192 : i1 to i32
      %cond3A_194 = arith.constant 0 : i32
      %cond3A_195 = arith.cmpi ne, %convert_element_type3A_193, %cond3A_194 : i32
      scf.if %cond3A_195 {
        %dma_wait3A_344 = arith.constant 0 : i32
        %dma_wait3A_345 = arith.constant 0 : i32
        %dma_wait3A_346 = tpu.memref_slice %arg4[%add3A_185, %dma_wait3A_344, %dma_wait3A_345] : memref<16384x200x64xf32, #tpu.memory_space<hbm>> -> memref<2x200x64xf32, #tpu.memory_space<hbm>>
        %dma_wait3A_347 = arith.constant 0 : i32
        %dma_wait3A_348 = arith.constant 0 : i32
        %dma_wait3A_349 = tpu.memref_slice %arg4[%add3A_185, %dma_wait3A_347, %dma_wait3A_348] : memref<16384x200x64xf32, #tpu.memory_space<hbm>> -> memref<2x200x64xf32, #tpu.memory_space<hbm>>
        tpu.wait_dma2 semaphore(%arg24 : memref<!tpu.dma_semaphore, #tpu.memory_space<semaphore_mem>>) src(%arg12 : memref<2x200x64xf32, #tpu.memory_space<vmem>>) dst(%dma_wait3A_349 : memref<2x200x64xf32, #tpu.memory_space<hbm>>)
      } else {
      }
      %add3A_196 = arith.constant 2 : i32
      %add3A_197 = arith.addi %add3A_182, %add3A_196 : i32
      %lt3A_198 = arith.constant 256 : i32
      %lt3A_199 = arith.cmpi slt, %add3A_197, %lt3A_198 : i32
      %add3A_200 = arith.constant 2 : i32
      %add3A_201 = arith.addi %add3A_182, %add3A_200 : i32
      %ge3A_202 = arith.constant 4 : i32
      %ge3A_203 = arith.cmpi sge, %add3A_201, %ge3A_202 : i32
      %and3A_204 = arith.andi %lt3A_199, %ge3A_203 : i1
      %convert_element_type3A_205 = arith.extui %and3A_204 : i1 to i32
      %cond3A_206 = arith.constant 0 : i32
      %cond3A_207 = arith.cmpi ne, %convert_element_type3A_205, %cond3A_206 : i32
      scf.if %cond3A_207 {
        %dma_wait3A_344 = arith.constant 0 : i32
        %dma_wait3A_345 = tpu.memref_slice %arg3[%dma_wait3A_344] : memref<3276800xi32, #tpu.memory_space<hbm>> -> memref<400xi32, #tpu.memory_space<hbm>>
        %dma_wait3A_346 = arith.constant 0 : i32
        %dma_wait3A_347 = tpu.memref_slice %arg3[%dma_wait3A_346] : memref<3276800xi32, #tpu.memory_space<hbm>> -> memref<400xi32, #tpu.memory_space<hbm>>
        tpu.wait_dma2 semaphore(%arg20 : memref<!tpu.dma_semaphore, #tpu.memory_space<semaphore_mem>>) src(%dma_wait3A_347 : memref<400xi32, #tpu.memory_space<hbm>>) dst(%arg8 : memref<400xi32, #tpu.memory_space<vmem>>)
      } else {
      }
      %add3A_208 = arith.constant 2 : i32
      %add3A_209 = arith.addi %add3A_182, %add3A_208 : i32
      %lt3A_210 = arith.constant 256 : i32
      %lt3A_211 = arith.cmpi slt, %add3A_209, %lt3A_210 : i32
      %convert_element_type3A_212 = arith.extui %lt3A_211 : i1 to i32
      %cond3A_213 = arith.constant 0 : i32
      %cond3A_214 = arith.cmpi ne, %convert_element_type3A_212, %cond3A_213 : i32
      scf.if %cond3A_214 {
        %add3A_344 = arith.constant 4 : i32
        %add3A_345 = arith.addi %add3A_185, %add3A_344 : i32
        %dma_start3A_346 = arith.constant 0 : i32
        %dma_start3A_347 = arith.constant 0 : i32
        %dma_start3A_348 = arith.constant 0 : i32
        %dma_start3A_349 = tpu.memref_slice %arg12[%dma_start3A_346, %dma_start3A_347, %dma_start3A_348] : memref<2x200x64xf32, #tpu.memory_space<vmem>> -> memref<1x128x64xf32, #tpu.memory_space<vmem>>
        %dma_start3A_350 = tpu.memref_squeeze %dma_start3A_349 : memref<1x128x64xf32, #tpu.memory_space<vmem>> -> memref<128x64xf32, #tpu.memory_space<vmem>>
        %dma_start3A_351 = arith.constant 0 : i32
        %dma_start3A_352 = tpu.memref_slice %arg8[%dma_start3A_351] : memref<400xi32, #tpu.memory_space<vmem>> -> memref<128xi32, #tpu.memory_space<vmem>>
        %dma_start3A_353 = arith.constant 0 : i32
        %dma_start3A_354 = arith.constant 0 : i32
        %dma_start3A_355 = tpu.memref_slice %arg2[%dma_start3A_353, %dma_start3A_354] : memref<1000x64xf32, #tpu.memory_space<hbm>> -> memref<1000x64xf32, #tpu.memory_space<hbm>>
        tpu.enqueue_indirect_dma source(%dma_start3A_355 : memref<1000x64xf32, #tpu.memory_space<hbm>>) target(%dma_start3A_350 : memref<128x64xf32, #tpu.memory_space<vmem>>) offsets(%dma_start3A_352 : memref<128xi32, #tpu.memory_space<vmem>>) semaphore(%arg16 : memref<!tpu.dma_semaphore, #tpu.memory_space<semaphore_mem>>)
        %dma_start3A_356 = arith.constant 0 : i32
        %dma_start3A_357 = arith.constant 128 : i32
        %dma_start3A_358 = arith.constant 0 : i32
        %dma_start3A_359 = tpu.memref_slice %arg12[%dma_start3A_356, %dma_start3A_357, %dma_start3A_358] : memref<2x200x64xf32, #tpu.memory_space<vmem>> -> memref<1x72x64xf32, #tpu.memory_space<vmem>>
        %dma_start3A_360 = tpu.memref_squeeze %dma_start3A_359 : memref<1x72x64xf32, #tpu.memory_space<vmem>> -> memref<72x64xf32, #tpu.memory_space<vmem>>
        %dma_start3A_361 = arith.constant 128 : i32
        %dma_start3A_362 = tpu.memref_slice %arg8[%dma_start3A_361] : memref<400xi32, #tpu.memory_space<vmem>> -> memref<72xi32, #tpu.memory_space<vmem>>
        %dma_start3A_363 = arith.constant 0 : i32
        %dma_start3A_364 = arith.constant 0 : i32
        %dma_start3A_365 = tpu.memref_slice %arg2[%dma_start3A_363, %dma_start3A_364] : memref<1000x64xf32, #tpu.memory_space<hbm>> -> memref<1000x64xf32, #tpu.memory_space<hbm>>
        tpu.enqueue_indirect_dma source(%dma_start3A_365 : memref<1000x64xf32, #tpu.memory_space<hbm>>) target(%dma_start3A_360 : memref<72x64xf32, #tpu.memory_space<vmem>>) offsets(%dma_start3A_362 : memref<72xi32, #tpu.memory_space<vmem>>) semaphore(%arg16 : memref<!tpu.dma_semaphore, #tpu.memory_space<semaphore_mem>>)
        %dma_start3A_366 = arith.constant 1 : i32
        %dma_start3A_367 = arith.constant 0 : i32
        %dma_start3A_368 = arith.constant 0 : i32
        %dma_start3A_369 = tpu.memref_slice %arg12[%dma_start3A_366, %dma_start3A_367, %dma_start3A_368] : memref<2x200x64xf32, #tpu.memory_space<vmem>> -> memref<1x128x64xf32, #tpu.memory_space<vmem>>
        %dma_start3A_370 = tpu.memref_squeeze %dma_start3A_369 : memref<1x128x64xf32, #tpu.memory_space<vmem>> -> memref<128x64xf32, #tpu.memory_space<vmem>>
        %dma_start3A_371 = arith.constant 200 : i32
        %dma_start3A_372 = tpu.memref_slice %arg8[%dma_start3A_371] : memref<400xi32, #tpu.memory_space<vmem>> -> memref<128xi32, #tpu.memory_space<vmem>>
        %dma_start3A_373 = arith.constant 0 : i32
        %dma_start3A_374 = arith.constant 0 : i32
        %dma_start3A_375 = tpu.memref_slice %arg2[%dma_start3A_373, %dma_start3A_374] : memref<1000x64xf32, #tpu.memory_space<hbm>> -> memref<1000x64xf32, #tpu.memory_space<hbm>>
        tpu.enqueue_indirect_dma source(%dma_start3A_375 : memref<1000x64xf32, #tpu.memory_space<hbm>>) target(%dma_start3A_370 : memref<128x64xf32, #tpu.memory_space<vmem>>) offsets(%dma_start3A_372 : memref<128xi32, #tpu.memory_space<vmem>>) semaphore(%arg16 : memref<!tpu.dma_semaphore, #tpu.memory_space<semaphore_mem>>)
        %dma_start3A_376 = arith.constant 1 : i32
        %dma_start3A_377 = arith.constant 128 : i32
        %dma_start3A_378 = arith.constant 0 : i32
        %dma_start3A_379 = tpu.memref_slice %arg12[%dma_start3A_376, %dma_start3A_377, %dma_start3A_378] : memref<2x200x64xf32, #tpu.memory_space<vmem>> -> memref<1x72x64xf32, #tpu.memory_space<vmem>>
        %dma_start3A_380 = tpu.memref_squeeze %dma_start3A_379 : memref<1x72x64xf32, #tpu.memory_space<vmem>> -> memref<72x64xf32, #tpu.memory_space<vmem>>
        %dma_start3A_381 = arith.constant 328 : i32
        %dma_start3A_382 = tpu.memref_slice %arg8[%dma_start3A_381] : memref<400xi32, #tpu.memory_space<vmem>> -> memref<72xi32, #tpu.memory_space<vmem>>
        %dma_start3A_383 = arith.constant 0 : i32
        %dma_start3A_384 = arith.constant 0 : i32
        %dma_start3A_385 = tpu.memref_slice %arg2[%dma_start3A_383, %dma_start3A_384] : memref<1000x64xf32, #tpu.memory_space<hbm>> -> memref<1000x64xf32, #tpu.memory_space<hbm>>
        tpu.enqueue_indirect_dma source(%dma_start3A_385 : memref<1000x64xf32, #tpu.memory_space<hbm>>) target(%dma_start3A_380 : memref<72x64xf32, #tpu.memory_space<vmem>>) offsets(%dma_start3A_382 : memref<72xi32, #tpu.memory_space<vmem>>) semaphore(%arg16 : memref<!tpu.dma_semaphore, #tpu.memory_space<semaphore_mem>>)
      } else {
      }
      %dma_wait3A_215 = arith.constant 0 : i32
      %dma_wait3A_216 = arith.constant 0 : i32
      %dma_wait3A_217 = tpu.memref_slice %arg4[%add3A_185, %dma_wait3A_215, %dma_wait3A_216] : memref<16384x200x64xf32, #tpu.memory_space<hbm>> -> memref<2x200x64xf32, #tpu.memory_space<hbm>>
      %dma_wait3A_218 = arith.constant 0 : i32
      %dma_wait3A_219 = arith.constant 0 : i32
      %dma_wait3A_220 = tpu.memref_slice %arg4[%add3A_185, %dma_wait3A_218, %dma_wait3A_219] : memref<16384x200x64xf32, #tpu.memory_space<hbm>> -> memref<2x200x64xf32, #tpu.memory_space<hbm>>
      tpu.wait_dma2 semaphore(%arg14 : memref<!tpu.dma_semaphore, #tpu.memory_space<semaphore_mem>>) src(%dma_wait3A_220 : memref<2x200x64xf32, #tpu.memory_space<hbm>>) dst(%arg10 : memref<2x200x64xf32, #tpu.memory_space<vmem>>)
      %dma_start3A_221 = arith.constant 0 : i32
      %dma_start3A_222 = arith.constant 0 : i32
      %dma_start3A_223 = tpu.memref_slice %arg4[%add3A_185, %dma_start3A_221, %dma_start3A_222] : memref<16384x200x64xf32, #tpu.memory_space<hbm>> -> memref<2x200x64xf32, #tpu.memory_space<hbm>>
      %dma_start3A_224 = arith.constant 0 : i32
      %dma_start3A_225 = arith.constant 0 : i32
      %dma_start3A_226 = tpu.memref_slice %arg4[%add3A_185, %dma_start3A_224, %dma_start3A_225] : memref<16384x200x64xf32, #tpu.memory_space<hbm>> -> memref<2x200x64xf32, #tpu.memory_space<hbm>>
      tpu.enqueue_dma source(%arg10 : memref<2x200x64xf32, #tpu.memory_space<vmem>>) target(%dma_start3A_226 : memref<2x200x64xf32, #tpu.memory_space<hbm>>) target_semaphore(%arg22 : memref<!tpu.dma_semaphore, #tpu.memory_space<semaphore_mem>>)
      %add3A_227 = arith.constant 4 : i32
      %add3A_228 = arith.addi %add3A_182, %add3A_227 : i32
      %lt3A_229 = arith.constant 256 : i32
      %lt3A_230 = arith.cmpi slt, %add3A_228, %lt3A_229 : i32
      %convert_element_type3A_231 = arith.extui %lt3A_230 : i1 to i32
      %cond3A_232 = arith.constant 0 : i32
      %cond3A_233 = arith.cmpi ne, %convert_element_type3A_231, %cond3A_232 : i32
      scf.if %cond3A_233 {
        %add3A_344 = arith.constant 8 : i32
        %add3A_345 = arith.addi %add3A_185, %add3A_344 : i32
        %mul3A_346 = arith.constant 200 : i32
        %mul3A_347 = arith.muli %add3A_345, %mul3A_346 : i32
        %dma_start3A_348 = tpu.memref_slice %arg3[%mul3A_347] : memref<3276800xi32, #tpu.memory_space<hbm>> -> memref<400xi32, #tpu.memory_space<hbm>>
        %dma_start3A_349 = tpu.memref_slice %arg3[%mul3A_347] : memref<3276800xi32, #tpu.memory_space<hbm>> -> memref<400xi32, #tpu.memory_space<hbm>>
        tpu.enqueue_dma source(%dma_start3A_349 : memref<400xi32, #tpu.memory_space<hbm>>) target(%arg6 : memref<400xi32, #tpu.memory_space<vmem>>) target_semaphore(%arg18 : memref<!tpu.dma_semaphore, #tpu.memory_space<semaphore_mem>>)
      } else {
      }
      %mul3A_234 = arith.constant 4 : i32
      %mul3A_235 = arith.muli %mul3A_234, %scan3A_128 : i32
      %add3A_236 = arith.constant 2 : i32
      %add3A_237 = arith.addi %mul3A_235, %add3A_236 : i32
      %mul3A_238 = arith.constant 2 : i32
      %mul3A_239 = arith.muli %add3A_237, %mul3A_238 : i32
      %add3A_240 = arith.addi %mul3A_2, %mul3A_239 : i32
      %add3A_241 = arith.constant 2 : i32
      %add3A_242 = arith.addi %add3A_237, %add3A_241 : i32
      %lt3A_243 = arith.constant 256 : i32
      %lt3A_244 = arith.cmpi slt, %add3A_242, %lt3A_243 : i32
      %ge3A_245 = arith.constant 2 : i32
      %ge3A_246 = arith.cmpi sge, %add3A_237, %ge3A_245 : i32
      %and3A_247 = arith.andi %lt3A_244, %ge3A_246 : i1
      %convert_element_type3A_248 = arith.extui %and3A_247 : i1 to i32
      %cond3A_249 = arith.constant 0 : i32
      %cond3A_250 = arith.cmpi ne, %convert_element_type3A_248, %cond3A_249 : i32
      scf.if %cond3A_250 {
        %dma_wait3A_344 = arith.constant 0 : i32
        %dma_wait3A_345 = arith.constant 0 : i32
        %dma_wait3A_346 = tpu.memref_slice %arg4[%add3A_240, %dma_wait3A_344, %dma_wait3A_345] : memref<16384x200x64xf32, #tpu.memory_space<hbm>> -> memref<2x200x64xf32, #tpu.memory_space<hbm>>
        %dma_wait3A_347 = arith.constant 0 : i32
        %dma_wait3A_348 = arith.constant 0 : i32
        %dma_wait3A_349 = tpu.memref_slice %arg4[%add3A_240, %dma_wait3A_347, %dma_wait3A_348] : memref<16384x200x64xf32, #tpu.memory_space<hbm>> -> memref<2x200x64xf32, #tpu.memory_space<hbm>>
        tpu.wait_dma2 semaphore(%arg21 : memref<!tpu.dma_semaphore, #tpu.memory_space<semaphore_mem>>) src(%arg9 : memref<2x200x64xf32, #tpu.memory_space<vmem>>) dst(%dma_wait3A_349 : memref<2x200x64xf32, #tpu.memory_space<hbm>>)
      } else {
      }
      %add3A_251 = arith.constant 2 : i32
      %add3A_252 = arith.addi %add3A_237, %add3A_251 : i32
      %lt3A_253 = arith.constant 256 : i32
      %lt3A_254 = arith.cmpi slt, %add3A_252, %lt3A_253 : i32
      %add3A_255 = arith.constant 2 : i32
      %add3A_256 = arith.addi %add3A_237, %add3A_255 : i32
      %ge3A_257 = arith.constant 4 : i32
      %ge3A_258 = arith.cmpi sge, %add3A_256, %ge3A_257 : i32
      %and3A_259 = arith.andi %lt3A_254, %ge3A_258 : i1
      %convert_element_type3A_260 = arith.extui %and3A_259 : i1 to i32
      %cond3A_261 = arith.constant 0 : i32
      %cond3A_262 = arith.cmpi ne, %convert_element_type3A_260, %cond3A_261 : i32
      scf.if %cond3A_262 {
        %dma_wait3A_344 = arith.constant 0 : i32
        %dma_wait3A_345 = tpu.memref_slice %arg3[%dma_wait3A_344] : memref<3276800xi32, #tpu.memory_space<hbm>> -> memref<400xi32, #tpu.memory_space<hbm>>
        %dma_wait3A_346 = arith.constant 0 : i32
        %dma_wait3A_347 = tpu.memref_slice %arg3[%dma_wait3A_346] : memref<3276800xi32, #tpu.memory_space<hbm>> -> memref<400xi32, #tpu.memory_space<hbm>>
        tpu.wait_dma2 semaphore(%arg17 : memref<!tpu.dma_semaphore, #tpu.memory_space<semaphore_mem>>) src(%dma_wait3A_347 : memref<400xi32, #tpu.memory_space<hbm>>) dst(%arg5 : memref<400xi32, #tpu.memory_space<vmem>>)
      } else {
      }
      %add3A_263 = arith.constant 2 : i32
      %add3A_264 = arith.addi %add3A_237, %add3A_263 : i32
      %lt3A_265 = arith.constant 256 : i32
      %lt3A_266 = arith.cmpi slt, %add3A_264, %lt3A_265 : i32
      %convert_element_type3A_267 = arith.extui %lt3A_266 : i1 to i32
      %cond3A_268 = arith.constant 0 : i32
      %cond3A_269 = arith.cmpi ne, %convert_element_type3A_267, %cond3A_268 : i32
      scf.if %cond3A_269 {
        %add3A_344 = arith.constant 4 : i32
        %add3A_345 = arith.addi %add3A_240, %add3A_344 : i32
        %dma_start3A_346 = arith.constant 0 : i32
        %dma_start3A_347 = arith.constant 0 : i32
        %dma_start3A_348 = arith.constant 0 : i32
        %dma_start3A_349 = tpu.memref_slice %arg9[%dma_start3A_346, %dma_start3A_347, %dma_start3A_348] : memref<2x200x64xf32, #tpu.memory_space<vmem>> -> memref<1x128x64xf32, #tpu.memory_space<vmem>>
        %dma_start3A_350 = tpu.memref_squeeze %dma_start3A_349 : memref<1x128x64xf32, #tpu.memory_space<vmem>> -> memref<128x64xf32, #tpu.memory_space<vmem>>
        %dma_start3A_351 = arith.constant 0 : i32
        %dma_start3A_352 = tpu.memref_slice %arg5[%dma_start3A_351] : memref<400xi32, #tpu.memory_space<vmem>> -> memref<128xi32, #tpu.memory_space<vmem>>
        %dma_start3A_353 = arith.constant 0 : i32
        %dma_start3A_354 = arith.constant 0 : i32
        %dma_start3A_355 = tpu.memref_slice %arg2[%dma_start3A_353, %dma_start3A_354] : memref<1000x64xf32, #tpu.memory_space<hbm>> -> memref<1000x64xf32, #tpu.memory_space<hbm>>
        tpu.enqueue_indirect_dma source(%dma_start3A_355 : memref<1000x64xf32, #tpu.memory_space<hbm>>) target(%dma_start3A_350 : memref<128x64xf32, #tpu.memory_space<vmem>>) offsets(%dma_start3A_352 : memref<128xi32, #tpu.memory_space<vmem>>) semaphore(%arg13 : memref<!tpu.dma_semaphore, #tpu.memory_space<semaphore_mem>>)
        %dma_start3A_356 = arith.constant 0 : i32
        %dma_start3A_357 = arith.constant 128 : i32
        %dma_start3A_358 = arith.constant 0 : i32
        %dma_start3A_359 = tpu.memref_slice %arg9[%dma_start3A_356, %dma_start3A_357, %dma_start3A_358] : memref<2x200x64xf32, #tpu.memory_space<vmem>> -> memref<1x72x64xf32, #tpu.memory_space<vmem>>
        %dma_start3A_360 = tpu.memref_squeeze %dma_start3A_359 : memref<1x72x64xf32, #tpu.memory_space<vmem>> -> memref<72x64xf32, #tpu.memory_space<vmem>>
        %dma_start3A_361 = arith.constant 128 : i32
        %dma_start3A_362 = tpu.memref_slice %arg5[%dma_start3A_361] : memref<400xi32, #tpu.memory_space<vmem>> -> memref<72xi32, #tpu.memory_space<vmem>>
        %dma_start3A_363 = arith.constant 0 : i32
        %dma_start3A_364 = arith.constant 0 : i32
        %dma_start3A_365 = tpu.memref_slice %arg2[%dma_start3A_363, %dma_start3A_364] : memref<1000x64xf32, #tpu.memory_space<hbm>> -> memref<1000x64xf32, #tpu.memory_space<hbm>>
        tpu.enqueue_indirect_dma source(%dma_start3A_365 : memref<1000x64xf32, #tpu.memory_space<hbm>>) target(%dma_start3A_360 : memref<72x64xf32, #tpu.memory_space<vmem>>) offsets(%dma_start3A_362 : memref<72xi32, #tpu.memory_space<vmem>>) semaphore(%arg13 : memref<!tpu.dma_semaphore, #tpu.memory_space<semaphore_mem>>)
        %dma_start3A_366 = arith.constant 1 : i32
        %dma_start3A_367 = arith.constant 0 : i32
        %dma_start3A_368 = arith.constant 0 : i32
        %dma_start3A_369 = tpu.memref_slice %arg9[%dma_start3A_366, %dma_start3A_367, %dma_start3A_368] : memref<2x200x64xf32, #tpu.memory_space<vmem>> -> memref<1x128x64xf32, #tpu.memory_space<vmem>>
        %dma_start3A_370 = tpu.memref_squeeze %dma_start3A_369 : memref<1x128x64xf32, #tpu.memory_space<vmem>> -> memref<128x64xf32, #tpu.memory_space<vmem>>
        %dma_start3A_371 = arith.constant 200 : i32
        %dma_start3A_372 = tpu.memref_slice %arg5[%dma_start3A_371] : memref<400xi32, #tpu.memory_space<vmem>> -> memref<128xi32, #tpu.memory_space<vmem>>
        %dma_start3A_373 = arith.constant 0 : i32
        %dma_start3A_374 = arith.constant 0 : i32
        %dma_start3A_375 = tpu.memref_slice %arg2[%dma_start3A_373, %dma_start3A_374] : memref<1000x64xf32, #tpu.memory_space<hbm>> -> memref<1000x64xf32, #tpu.memory_space<hbm>>
        tpu.enqueue_indirect_dma source(%dma_start3A_375 : memref<1000x64xf32, #tpu.memory_space<hbm>>) target(%dma_start3A_370 : memref<128x64xf32, #tpu.memory_space<vmem>>) offsets(%dma_start3A_372 : memref<128xi32, #tpu.memory_space<vmem>>) semaphore(%arg13 : memref<!tpu.dma_semaphore, #tpu.memory_space<semaphore_mem>>)
        %dma_start3A_376 = arith.constant 1 : i32
        %dma_start3A_377 = arith.constant 128 : i32
        %dma_start3A_378 = arith.constant 0 : i32
        %dma_start3A_379 = tpu.memref_slice %arg9[%dma_start3A_376, %dma_start3A_377, %dma_start3A_378] : memref<2x200x64xf32, #tpu.memory_space<vmem>> -> memref<1x72x64xf32, #tpu.memory_space<vmem>>
        %dma_start3A_380 = tpu.memref_squeeze %dma_start3A_379 : memref<1x72x64xf32, #tpu.memory_space<vmem>> -> memref<72x64xf32, #tpu.memory_space<vmem>>
        %dma_start3A_381 = arith.constant 328 : i32
        %dma_start3A_382 = tpu.memref_slice %arg5[%dma_start3A_381] : memref<400xi32, #tpu.memory_space<vmem>> -> memref<72xi32, #tpu.memory_space<vmem>>
        %dma_start3A_383 = arith.constant 0 : i32
        %dma_start3A_384 = arith.constant 0 : i32
        %dma_start3A_385 = tpu.memref_slice %arg2[%dma_start3A_383, %dma_start3A_384] : memref<1000x64xf32, #tpu.memory_space<hbm>> -> memref<1000x64xf32, #tpu.memory_space<hbm>>
        tpu.enqueue_indirect_dma source(%dma_start3A_385 : memref<1000x64xf32, #tpu.memory_space<hbm>>) target(%dma_start3A_380 : memref<72x64xf32, #tpu.memory_space<vmem>>) offsets(%dma_start3A_382 : memref<72xi32, #tpu.memory_space<vmem>>) semaphore(%arg13 : memref<!tpu.dma_semaphore, #tpu.memory_space<semaphore_mem>>)
      } else {
      }
      %dma_wait3A_270 = arith.constant 0 : i32
      %dma_wait3A_271 = arith.constant 0 : i32
      %dma_wait3A_272 = tpu.memref_slice %arg4[%add3A_240, %dma_wait3A_270, %dma_wait3A_271] : memref<16384x200x64xf32, #tpu.memory_space<hbm>> -> memref<2x200x64xf32, #tpu.memory_space<hbm>>
      %dma_wait3A_273 = arith.constant 0 : i32
      %dma_wait3A_274 = arith.constant 0 : i32
      %dma_wait3A_275 = tpu.memref_slice %arg4[%add3A_240, %dma_wait3A_273, %dma_wait3A_274] : memref<16384x200x64xf32, #tpu.memory_space<hbm>> -> memref<2x200x64xf32, #tpu.memory_space<hbm>>
      tpu.wait_dma2 semaphore(%arg15 : memref<!tpu.dma_semaphore, #tpu.memory_space<semaphore_mem>>) src(%dma_wait3A_275 : memref<2x200x64xf32, #tpu.memory_space<hbm>>) dst(%arg11 : memref<2x200x64xf32, #tpu.memory_space<vmem>>)
      %dma_start3A_276 = arith.constant 0 : i32
      %dma_start3A_277 = arith.constant 0 : i32
      %dma_start3A_278 = tpu.memref_slice %arg4[%add3A_240, %dma_start3A_276, %dma_start3A_277] : memref<16384x200x64xf32, #tpu.memory_space<hbm>> -> memref<2x200x64xf32, #tpu.memory_space<hbm>>
      %dma_start3A_279 = arith.constant 0 : i32
      %dma_start3A_280 = arith.constant 0 : i32
      %dma_start3A_281 = tpu.memref_slice %arg4[%add3A_240, %dma_start3A_279, %dma_start3A_280] : memref<16384x200x64xf32, #tpu.memory_space<hbm>> -> memref<2x200x64xf32, #tpu.memory_space<hbm>>
      tpu.enqueue_dma source(%arg11 : memref<2x200x64xf32, #tpu.memory_space<vmem>>) target(%dma_start3A_281 : memref<2x200x64xf32, #tpu.memory_space<hbm>>) target_semaphore(%arg23 : memref<!tpu.dma_semaphore, #tpu.memory_space<semaphore_mem>>)
      %add3A_282 = arith.constant 4 : i32
      %add3A_283 = arith.addi %add3A_237, %add3A_282 : i32
      %lt3A_284 = arith.constant 256 : i32
      %lt3A_285 = arith.cmpi slt, %add3A_283, %lt3A_284 : i32
      %convert_element_type3A_286 = arith.extui %lt3A_285 : i1 to i32
      %cond3A_287 = arith.constant 0 : i32
      %cond3A_288 = arith.cmpi ne, %convert_element_type3A_286, %cond3A_287 : i32
      scf.if %cond3A_288 {
        %add3A_344 = arith.constant 8 : i32
        %add3A_345 = arith.addi %add3A_240, %add3A_344 : i32
        %mul3A_346 = arith.constant 200 : i32
        %mul3A_347 = arith.muli %add3A_345, %mul3A_346 : i32
        %dma_start3A_348 = tpu.memref_slice %arg3[%mul3A_347] : memref<3276800xi32, #tpu.memory_space<hbm>> -> memref<400xi32, #tpu.memory_space<hbm>>
        %dma_start3A_349 = tpu.memref_slice %arg3[%mul3A_347] : memref<3276800xi32, #tpu.memory_space<hbm>> -> memref<400xi32, #tpu.memory_space<hbm>>
        tpu.enqueue_dma source(%dma_start3A_349 : memref<400xi32, #tpu.memory_space<hbm>>) target(%arg7 : memref<400xi32, #tpu.memory_space<vmem>>) target_semaphore(%arg19 : memref<!tpu.dma_semaphore, #tpu.memory_space<semaphore_mem>>)
      } else {
      }
      %mul3A_289 = arith.constant 4 : i32
      %mul3A_290 = arith.muli %mul3A_289, %scan3A_128 : i32
      %add3A_291 = arith.constant 3 : i32
      %add3A_292 = arith.addi %mul3A_290, %add3A_291 : i32
      %mul3A_293 = arith.constant 2 : i32
      %mul3A_294 = arith.muli %add3A_292, %mul3A_293 : i32
      %add3A_295 = arith.addi %mul3A_2, %mul3A_294 : i32
      %add3A_296 = arith.constant 2 : i32
      %add3A_297 = arith.addi %add3A_292, %add3A_296 : i32
      %lt3A_298 = arith.constant 256 : i32
      %lt3A_299 = arith.cmpi slt, %add3A_297, %lt3A_298 : i32
      %ge3A_300 = arith.constant 2 : i32
      %ge3A_301 = arith.cmpi sge, %add3A_292, %ge3A_300 : i32
      %and3A_302 = arith.andi %lt3A_299, %ge3A_301 : i1
      %convert_element_type3A_303 = arith.extui %and3A_302 : i1 to i32
      %cond3A_304 = arith.constant 0 : i32
      %cond3A_305 = arith.cmpi ne, %convert_element_type3A_303, %cond3A_304 : i32
      scf.if %cond3A_305 {
        %dma_wait3A_344 = arith.constant 0 : i32
        %dma_wait3A_345 = arith.constant 0 : i32
        %dma_wait3A_346 = tpu.memref_slice %arg4[%add3A_295, %dma_wait3A_344, %dma_wait3A_345] : memref<16384x200x64xf32, #tpu.memory_space<hbm>> -> memref<2x200x64xf32, #tpu.memory_space<hbm>>
        %dma_wait3A_347 = arith.constant 0 : i32
        %dma_wait3A_348 = arith.constant 0 : i32
        %dma_wait3A_349 = tpu.memref_slice %arg4[%add3A_295, %dma_wait3A_347, %dma_wait3A_348] : memref<16384x200x64xf32, #tpu.memory_space<hbm>> -> memref<2x200x64xf32, #tpu.memory_space<hbm>>
        tpu.wait_dma2 semaphore(%arg22 : memref<!tpu.dma_semaphore, #tpu.memory_space<semaphore_mem>>) src(%arg10 : memref<2x200x64xf32, #tpu.memory_space<vmem>>) dst(%dma_wait3A_349 : memref<2x200x64xf32, #tpu.memory_space<hbm>>)
      } else {
      }
      %add3A_306 = arith.constant 2 : i32
      %add3A_307 = arith.addi %add3A_292, %add3A_306 : i32
      %lt3A_308 = arith.constant 256 : i32
      %lt3A_309 = arith.cmpi slt, %add3A_307, %lt3A_308 : i32
      %add3A_310 = arith.constant 2 : i32
      %add3A_311 = arith.addi %add3A_292, %add3A_310 : i32
      %ge3A_312 = arith.constant 4 : i32
      %ge3A_313 = arith.cmpi sge, %add3A_311, %ge3A_312 : i32
      %and3A_314 = arith.andi %lt3A_309, %ge3A_313 : i1
      %convert_element_type3A_315 = arith.extui %and3A_314 : i1 to i32
      %cond3A_316 = arith.constant 0 : i32
      %cond3A_317 = arith.cmpi ne, %convert_element_type3A_315, %cond3A_316 : i32
      scf.if %cond3A_317 {
        %dma_wait3A_344 = arith.constant 0 : i32
        %dma_wait3A_345 = tpu.memref_slice %arg3[%dma_wait3A_344] : memref<3276800xi32, #tpu.memory_space<hbm>> -> memref<400xi32, #tpu.memory_space<hbm>>
        %dma_wait3A_346 = arith.constant 0 : i32
        %dma_wait3A_347 = tpu.memref_slice %arg3[%dma_wait3A_346] : memref<3276800xi32, #tpu.memory_space<hbm>> -> memref<400xi32, #tpu.memory_space<hbm>>
        tpu.wait_dma2 semaphore(%arg18 : memref<!tpu.dma_semaphore, #tpu.memory_space<semaphore_mem>>) src(%dma_wait3A_347 : memref<400xi32, #tpu.memory_space<hbm>>) dst(%arg6 : memref<400xi32, #tpu.memory_space<vmem>>)
      } else {
      }
      %add3A_318 = arith.constant 2 : i32
      %add3A_319 = arith.addi %add3A_292, %add3A_318 : i32
      %lt3A_320 = arith.constant 256 : i32
      %lt3A_321 = arith.cmpi slt, %add3A_319, %lt3A_320 : i32
      %convert_element_type3A_322 = arith.extui %lt3A_321 : i1 to i32
      %cond3A_323 = arith.constant 0 : i32
      %cond3A_324 = arith.cmpi ne, %convert_element_type3A_322, %cond3A_323 : i32
      scf.if %cond3A_324 {
        %add3A_344 = arith.constant 4 : i32
        %add3A_345 = arith.addi %add3A_295, %add3A_344 : i32
        %dma_start3A_346 = arith.constant 0 : i32
        %dma_start3A_347 = arith.constant 0 : i32
        %dma_start3A_348 = arith.constant 0 : i32
        %dma_start3A_349 = tpu.memref_slice %arg10[%dma_start3A_346, %dma_start3A_347, %dma_start3A_348] : memref<2x200x64xf32, #tpu.memory_space<vmem>> -> memref<1x128x64xf32, #tpu.memory_space<vmem>>
        %dma_start3A_350 = tpu.memref_squeeze %dma_start3A_349 : memref<1x128x64xf32, #tpu.memory_space<vmem>> -> memref<128x64xf32, #tpu.memory_space<vmem>>
        %dma_start3A_351 = arith.constant 0 : i32
        %dma_start3A_352 = tpu.memref_slice %arg6[%dma_start3A_351] : memref<400xi32, #tpu.memory_space<vmem>> -> memref<128xi32, #tpu.memory_space<vmem>>
        %dma_start3A_353 = arith.constant 0 : i32
        %dma_start3A_354 = arith.constant 0 : i32
        %dma_start3A_355 = tpu.memref_slice %arg2[%dma_start3A_353, %dma_start3A_354] : memref<1000x64xf32, #tpu.memory_space<hbm>> -> memref<1000x64xf32, #tpu.memory_space<hbm>>
        tpu.enqueue_indirect_dma source(%dma_start3A_355 : memref<1000x64xf32, #tpu.memory_space<hbm>>) target(%dma_start3A_350 : memref<128x64xf32, #tpu.memory_space<vmem>>) offsets(%dma_start3A_352 : memref<128xi32, #tpu.memory_space<vmem>>) semaphore(%arg14 : memref<!tpu.dma_semaphore, #tpu.memory_space<semaphore_mem>>)
        %dma_start3A_356 = arith.constant 0 : i32
        %dma_start3A_357 = arith.constant 128 : i32
        %dma_start3A_358 = arith.constant 0 : i32
        %dma_start3A_359 = tpu.memref_slice %arg10[%dma_start3A_356, %dma_start3A_357, %dma_start3A_358] : memref<2x200x64xf32, #tpu.memory_space<vmem>> -> memref<1x72x64xf32, #tpu.memory_space<vmem>>
        %dma_start3A_360 = tpu.memref_squeeze %dma_start3A_359 : memref<1x72x64xf32, #tpu.memory_space<vmem>> -> memref<72x64xf32, #tpu.memory_space<vmem>>
        %dma_start3A_361 = arith.constant 128 : i32
        %dma_start3A_362 = tpu.memref_slice %arg6[%dma_start3A_361] : memref<400xi32, #tpu.memory_space<vmem>> -> memref<72xi32, #tpu.memory_space<vmem>>
        %dma_start3A_363 = arith.constant 0 : i32
        %dma_start3A_364 = arith.constant 0 : i32
        %dma_start3A_365 = tpu.memref_slice %arg2[%dma_start3A_363, %dma_start3A_364] : memref<1000x64xf32, #tpu.memory_space<hbm>> -> memref<1000x64xf32, #tpu.memory_space<hbm>>
        tpu.enqueue_indirect_dma source(%dma_start3A_365 : memref<1000x64xf32, #tpu.memory_space<hbm>>) target(%dma_start3A_360 : memref<72x64xf32, #tpu.memory_space<vmem>>) offsets(%dma_start3A_362 : memref<72xi32, #tpu.memory_space<vmem>>) semaphore(%arg14 : memref<!tpu.dma_semaphore, #tpu.memory_space<semaphore_mem>>)
        %dma_start3A_366 = arith.constant 1 : i32
        %dma_start3A_367 = arith.constant 0 : i32
        %dma_start3A_368 = arith.constant 0 : i32
        %dma_start3A_369 = tpu.memref_slice %arg10[%dma_start3A_366, %dma_start3A_367, %dma_start3A_368] : memref<2x200x64xf32, #tpu.memory_space<vmem>> -> memref<1x128x64xf32, #tpu.memory_space<vmem>>
        %dma_start3A_370 = tpu.memref_squeeze %dma_start3A_369 : memref<1x128x64xf32, #tpu.memory_space<vmem>> -> memref<128x64xf32, #tpu.memory_space<vmem>>
        %dma_start3A_371 = arith.constant 200 : i32
        %dma_start3A_372 = tpu.memref_slice %arg6[%dma_start3A_371] : memref<400xi32, #tpu.memory_space<vmem>> -> memref<128xi32, #tpu.memory_space<vmem>>
        %dma_start3A_373 = arith.constant 0 : i32
        %dma_start3A_374 = arith.constant 0 : i32
        %dma_start3A_375 = tpu.memref_slice %arg2[%dma_start3A_373, %dma_start3A_374] : memref<1000x64xf32, #tpu.memory_space<hbm>> -> memref<1000x64xf32, #tpu.memory_space<hbm>>
        tpu.enqueue_indirect_dma source(%dma_start3A_375 : memref<1000x64xf32, #tpu.memory_space<hbm>>) target(%dma_start3A_370 : memref<128x64xf32, #tpu.memory_space<vmem>>) offsets(%dma_start3A_372 : memref<128xi32, #tpu.memory_space<vmem>>) semaphore(%arg14 : memref<!tpu.dma_semaphore, #tpu.memory_space<semaphore_mem>>)
        %dma_start3A_376 = arith.constant 1 : i32
        %dma_start3A_377 = arith.constant 128 : i32
        %dma_start3A_378 = arith.constant 0 : i32
        %dma_start3A_379 = tpu.memref_slice %arg10[%dma_start3A_376, %dma_start3A_377, %dma_start3A_378] : memref<2x200x64xf32, #tpu.memory_space<vmem>> -> memref<1x72x64xf32, #tpu.memory_space<vmem>>
        %dma_start3A_380 = tpu.memref_squeeze %dma_start3A_379 : memref<1x72x64xf32, #tpu.memory_space<vmem>> -> memref<72x64xf32, #tpu.memory_space<vmem>>
        %dma_start3A_381 = arith.constant 328 : i32
        %dma_start3A_382 = tpu.memref_slice %arg6[%dma_start3A_381] : memref<400xi32, #tpu.memory_space<vmem>> -> memref<72xi32, #tpu.memory_space<vmem>>
        %dma_start3A_383 = arith.constant 0 : i32
        %dma_start3A_384 = arith.constant 0 : i32
        %dma_start3A_385 = tpu.memref_slice %arg2[%dma_start3A_383, %dma_start3A_384] : memref<1000x64xf32, #tpu.memory_space<hbm>> -> memref<1000x64xf32, #tpu.memory_space<hbm>>
        tpu.enqueue_indirect_dma source(%dma_start3A_385 : memref<1000x64xf32, #tpu.memory_space<hbm>>) target(%dma_start3A_380 : memref<72x64xf32, #tpu.memory_space<vmem>>) offsets(%dma_start3A_382 : memref<72xi32, #tpu.memory_space<vmem>>) semaphore(%arg14 : memref<!tpu.dma_semaphore, #tpu.memory_space<semaphore_mem>>)
      } else {
      }
      %dma_wait3A_325 = arith.constant 0 : i32
      %dma_wait3A_326 = arith.constant 0 : i32
      %dma_wait3A_327 = tpu.memref_slice %arg4[%add3A_295, %dma_wait3A_325, %dma_wait3A_326] : memref<16384x200x64xf32, #tpu.memory_space<hbm>> -> memref<2x200x64xf32, #tpu.memory_space<hbm>>
      %dma_wait3A_328 = arith.constant 0 : i32
      %dma_wait3A_329 = arith.constant 0 : i32
      %dma_wait3A_330 = tpu.memref_slice %arg4[%add3A_295, %dma_wait3A_328, %dma_wait3A_329] : memref<16384x200x64xf32, #tpu.memory_space<hbm>> -> memref<2x200x64xf32, #tpu.memory_space<hbm>>
      tpu.wait_dma2 semaphore(%arg16 : memref<!tpu.dma_semaphore, #tpu.memory_space<semaphore_mem>>) src(%dma_wait3A_330 : memref<2x200x64xf32, #tpu.memory_space<hbm>>) dst(%arg12 : memref<2x200x64xf32, #tpu.memory_space<vmem>>)
      %dma_start3A_331 = arith.constant 0 : i32
      %dma_start3A_332 = arith.constant 0 : i32
      %dma_start3A_333 = tpu.memref_slice %arg4[%add3A_295, %dma_start3A_331, %dma_start3A_332] : memref<16384x200x64xf32, #tpu.memory_space<hbm>> -> memref<2x200x64xf32, #tpu.memory_space<hbm>>
      %dma_start3A_334 = arith.constant 0 : i32
      %dma_start3A_335 = arith.constant 0 : i32
      %dma_start3A_336 = tpu.memref_slice %arg4[%add3A_295, %dma_start3A_334, %dma_start3A_335] : memref<16384x200x64xf32, #tpu.memory_space<hbm>> -> memref<2x200x64xf32, #tpu.memory_space<hbm>>
      tpu.enqueue_dma source(%arg12 : memref<2x200x64xf32, #tpu.memory_space<vmem>>) target(%dma_start3A_336 : memref<2x200x64xf32, #tpu.memory_space<hbm>>) target_semaphore(%arg24 : memref<!tpu.dma_semaphore, #tpu.memory_space<semaphore_mem>>)
      %add3A_337 = arith.constant 4 : i32
      %add3A_338 = arith.addi %add3A_292, %add3A_337 : i32
      %lt3A_339 = arith.constant 256 : i32
      %lt3A_340 = arith.cmpi slt, %add3A_338, %lt3A_339 : i32
      %convert_element_type3A_341 = arith.extui %lt3A_340 : i1 to i32
      %cond3A_342 = arith.constant 0 : i32
      %cond3A_343 = arith.cmpi ne, %convert_element_type3A_341, %cond3A_342 : i32
      scf.if %cond3A_343 {
        %add3A_344 = arith.constant 8 : i32
        %add3A_345 = arith.addi %add3A_295, %add3A_344 : i32
        %mul3A_346 = arith.constant 200 : i32
        %mul3A_347 = arith.muli %add3A_345, %mul3A_346 : i32
        %dma_start3A_348 = tpu.memref_slice %arg3[%mul3A_347] : memref<3276800xi32, #tpu.memory_space<hbm>> -> memref<400xi32, #tpu.memory_space<hbm>>
        %dma_start3A_349 = tpu.memref_slice %arg3[%mul3A_347] : memref<3276800xi32, #tpu.memory_space<hbm>> -> memref<400xi32, #tpu.memory_space<hbm>>
        tpu.enqueue_dma source(%dma_start3A_349 : memref<400xi32, #tpu.memory_space<hbm>>) target(%arg8 : memref<400xi32, #tpu.memory_space<vmem>>) target_semaphore(%arg20 : memref<!tpu.dma_semaphore, #tpu.memory_space<semaphore_mem>>)
      } else {
      }
    }
    %scan3A_104 = arith.constant 64 : i32
    %dma_wait3A = arith.constant 0 : i32
    %dma_wait3A_105 = arith.constant 0 : i32
    %dma_wait3A_106 = tpu.memref_slice %arg4[%mul3A_2, %dma_wait3A, %dma_wait3A_105] : memref<16384x200x64xf32, #tpu.memory_space<hbm>> -> memref<2x200x64xf32, #tpu.memory_space<hbm>>
    %dma_wait3A_107 = arith.constant 0 : i32
    %dma_wait3A_108 = arith.constant 0 : i32
    %dma_wait3A_109 = tpu.memref_slice %arg4[%mul3A_2, %dma_wait3A_107, %dma_wait3A_108] : memref<16384x200x64xf32, #tpu.memory_space<hbm>> -> memref<2x200x64xf32, #tpu.memory_space<hbm>>
    tpu.wait_dma2 semaphore(%arg21 : memref<!tpu.dma_semaphore, #tpu.memory_space<semaphore_mem>>) src(%arg9 : memref<2x200x64xf32, #tpu.memory_space<vmem>>) dst(%dma_wait3A_109 : memref<2x200x64xf32, #tpu.memory_space<hbm>>)
    %dma_wait3A_110 = arith.constant 0 : i32
    %dma_wait3A_111 = arith.constant 0 : i32
    %dma_wait3A_112 = tpu.memref_slice %arg4[%mul3A_2, %dma_wait3A_110, %dma_wait3A_111] : memref<16384x200x64xf32, #tpu.memory_space<hbm>> -> memref<2x200x64xf32, #tpu.memory_space<hbm>>
    %dma_wait3A_113 = arith.constant 0 : i32
    %dma_wait3A_114 = arith.constant 0 : i32
    %dma_wait3A_115 = tpu.memref_slice %arg4[%mul3A_2, %dma_wait3A_113, %dma_wait3A_114] : memref<16384x200x64xf32, #tpu.memory_space<hbm>> -> memref<2x200x64xf32, #tpu.memory_space<hbm>>
    tpu.wait_dma2 semaphore(%arg22 : memref<!tpu.dma_semaphore, #tpu.memory_space<semaphore_mem>>) src(%arg10 : memref<2x200x64xf32, #tpu.memory_space<vmem>>) dst(%dma_wait3A_115 : memref<2x200x64xf32, #tpu.memory_space<hbm>>)
    %dma_wait3A_116 = arith.constant 0 : i32
    %dma_wait3A_117 = arith.constant 0 : i32
    %dma_wait3A_118 = tpu.memref_slice %arg4[%mul3A_2, %dma_wait3A_116, %dma_wait3A_117] : memref<16384x200x64xf32, #tpu.memory_space<hbm>> -> memref<2x200x64xf32, #tpu.memory_space<hbm>>
    %dma_wait3A_119 = arith.constant 0 : i32
    %dma_wait3A_120 = arith.constant 0 : i32
    %dma_wait3A_121 = tpu.memref_slice %arg4[%mul3A_2, %dma_wait3A_119, %dma_wait3A_120] : memref<16384x200x64xf32, #tpu.memory_space<hbm>> -> memref<2x200x64xf32, #tpu.memory_space<hbm>>
    tpu.wait_dma2 semaphore(%arg23 : memref<!tpu.dma_semaphore, #tpu.memory_space<semaphore_mem>>) src(%arg11 : memref<2x200x64xf32, #tpu.memory_space<vmem>>) dst(%dma_wait3A_121 : memref<2x200x64xf32, #tpu.memory_space<hbm>>)
    %dma_wait3A_122 = arith.constant 0 : i32
    %dma_wait3A_123 = arith.constant 0 : i32
    %dma_wait3A_124 = tpu.memref_slice %arg4[%mul3A_2, %dma_wait3A_122, %dma_wait3A_123] : memref<16384x200x64xf32, #tpu.memory_space<hbm>> -> memref<2x200x64xf32, #tpu.memory_space<hbm>>
    %dma_wait3A_125 = arith.constant 0 : i32
    %dma_wait3A_126 = arith.constant 0 : i32
    %dma_wait3A_127 = tpu.memref_slice %arg4[%mul3A_2, %dma_wait3A_125, %dma_wait3A_126] : memref<16384x200x64xf32, #tpu.memory_space<hbm>> -> memref<2x200x64xf32, #tpu.memory_space<hbm>>
    tpu.wait_dma2 semaphore(%arg24 : memref<!tpu.dma_semaphore, #tpu.memory_space<semaphore_mem>>) src(%arg12 : memref<2x200x64xf32, #tpu.memory_space<vmem>>) dst(%dma_wait3A_127 : memref<2x200x64xf32, #tpu.memory_space<hbm>>)
    return
  }
}

module attributes {stable_mosaic.version = 14 : i64} {
  func.func @_z_body(%arg0: memref<1000x64xf32, #tpu.memory_space<vmem>>, %arg1: memref<64x64xf32, #tpu.memory_space<vmem>>, %arg2: memref<1x64xf32, #tpu.memory_space<vmem>>, %arg3: memref<1000x64xf32, #tpu.memory_space<vmem>>) attributes {dimension_semantics = [], scalar_prefetch = 0 : i64, scratch_operands = 0 : i64, tpu.core_type = #tpu.core_type<tc>} {
    %get3A = arith.constant 0 : index
    %get3A_0 = arith.constant 0 : index
    %get3A_1 = vector.load %arg0[%get3A, %get3A_0] : memref<1000x64xf32, #tpu.memory_space<vmem>>, vector<1000x64xf32>
    %iota3A = tpu.iota {dimensions = array<i32: 0>} : vector<1000x64xi32>
    %eq3A = arith.constant 0 : i32
    %eq3A_2 = vector.broadcast %eq3A : i32 to vector<1000x64xi32>
    %eq3A_3 = arith.cmpi eq, %iota3A, %eq3A_2 : vector<1000x64xi32>
    %jit3A = arith.constant 0.000000e+00 : f32
    %broadcast_in_dim3A = vector.broadcast %jit3A : f32 to vector<1000x64xf32>
    %select_n3A = arith.select %eq3A_3, %broadcast_in_dim3A, %get3A_1 : vector<1000x64xi1>, vector<1000x64xf32>
    %get3A_4 = arith.constant 0 : index
    %get3A_5 = arith.constant 0 : index
    %get3A_6 = vector.load %arg1[%get3A_4, %get3A_5] : memref<64x64xf32, #tpu.memory_space<vmem>>, vector<64x64xf32>
    %dot_general3A = arith.constant dense<0.000000e+00> : vector<1000x64xf32>
    %dot_general3A_7 = tpu.matmul %select_n3A, %get3A_6, %dot_general3A {dimension_numbers = #tpu.dot_dimension_numbers<[1], [1], [0], [0], [0, 0, 1, 0], [], []>, transpose_lhs_hint = false} : vector<1000x64xf32>, vector<64x64xf32>, vector<1000x64xf32> -> vector<1000x64xf32>
    %get3A_8 = arith.constant 0 : index
    %get3A_9 = arith.constant 0 : index
    %get3A_10 = vector.load %arg2[%get3A_8, %get3A_9] : memref<1x64xf32, #tpu.memory_space<vmem>>, vector<1x64xf32>
    %add3A = vector.broadcast %get3A_10 : vector<1x64xf32> to vector<1000x64xf32>
    %add3A_11 = arith.addf %dot_general3A_7, %add3A : vector<1000x64xf32>
    %tanh3A = math.tanh %add3A_11 : vector<1000x64xf32>
    %swap3A = arith.constant 0 : index
    %swap3A_12 = arith.constant 0 : index
    %swap3A_13 = vector.load %arg3[%swap3A, %swap3A_12] : memref<1000x64xf32, #tpu.memory_space<vmem>>, vector<1000x64xf32>
    tpu.vector_store %arg3[%swap3A, %swap3A_12], %tanh3A {strides = array<i32>} : memref<1000x64xf32, #tpu.memory_space<vmem>>, vector<1000x64xf32>,
    return
  }
}

</mosaic_0001>

<sc_bundles>
// kernel: kernel.4.cloned.1.call-start
scs
__scs_entry_jumppad:
0x0: {  	(pc) =	sbr.rel $0x88, $3  }
0x1: {  	(tag) =	ssettag $0x0;
	lr =	simm.s32 $0x1  }
0x2: {  	[smem:$0x3F9D] =	sst lr;
	_ =	strace $0xD0000000  }
0x3: {  	_ = 	snop  }
0x4: {  	_ = 	snop  }
0x5: {  	_ = 	snop  }
0x6: {  	_ = 	snop  }
0x7: {  	_ = 	snop  }
__scs_overlays_trampoline_lowered:
0x8: {  	[smem:$0x3FAC] =	sst s0  }
0x9: {  	[smem:$0x3FAD] =	sst s1  }
0xa: {  	[smem:$0x3FAE] =	sst s2  }
0xb: {  	[smem:$0x3FAF] =	sst s3  }
0xc: {  	[smem:$0x3FB0] =	sst s4  }
0xd: {  	[smem:$0x3FB1] =	sst s5  }
0xe: {  	[smem:$0x3FB2] =	sst s6  }
0xf: {  	[smem:$0x3FB3] =	sst s7  }
0x10: {  	[smem:$0x3FB4] =	sst s8  }
0x11: {  	[smem:$0x3FB5] =	sst s9;
	s0 =	simm.s32 @!p0 $0x0  }
0x12: {  	s1 =	sld [smem:$0x3F9B];
	s0 =	simm.s32 @p0 $0x1  }
0x13: {  	[smem:$0x3FB6] =	sst s0;
	s0 =	simm.s32 @!p1 $0x0  }
0x14: {  	s2 =	sld [smem:$0x3F9A];
	s0 =	simm.s32 @p1 $0x1  }
0x15: {  	[smem:$0x3FB7] =	sst s0;
	s0 =	simm.s32 @!p2 $0x0  }
0x16: {  	s3 =	sld [smem:$0x3FDB];
	s0 =	simm.s32 @p2 $0x1  }
0x17: {  	s4 =	simm.s32 $0x1BF5;
	[smem:$0x3FB9] =	sst s0  }
0x18: {  	s0 =	sld [smem:$0x3F9C];
	_ =	swait.ge [sflag:s4], $0x0  }
0x19: {  	s7 =	sld [smem:$0x3F9D]  }
0x1a: {  	s8 =	sadd.s32 $0xFFFFE003, lr  }
0x1b: {  	s9 =	sadd.s32 $0xFFFFFEF7, lr;
	s5 =	simm.s32 $0xFFFFFFFF;
	p2 =	slt.u32 s8, $0xFFFFF086  }
0x1c: {  	p1 =	slt.u32 s9, $0xF7A;
	s5 =	simm.s32 @!p2 $0x0  }
0x1d: {  	s5 =	simm.s32 @p1 $0x1;
	p0 =	seq.s32 s7, s2  }
0x1e: {  	s7 =	smul.u32 @!p0 $0xF7A, s2;
	p2 =	seq.s32 @!p0 s5, $0x0  }
0x1f: {  	s9 =	smul.u32 $0xF7A, s1;
	s8 =	simm.s32 @!p0 $0x1BF5;
	p2 =	por !p2, p0  }
0x20: {  	[sflag:s8] =	ssyncset.s32 @!p0 $0xFFFFF086;
	s6 =	sadd.s32 @!p0 s3, s7;
	s7 =	simm.s32 @!p0 $0x108  }
0x21: {  	s3 =	sadd.s32 s3, s9;
	s6 =	sadd.s32 @!p0 $0x88, s6;
	s7 =	simm.s32 @p2 $0x1082  }
0x22: {  	[simem:s7], [sflag:s8] =	dma.local @!p0 [hbm:s6], $0xF7A  }
0x23: {  	s9 =	sor.u32 $0xD0000000, s2;
	s6 =	simm.s32 $0x108;
	_ =	swait.ge @!p0 [sflag:s8], $0x0  }
0x24: {  	s3 =	sadd.s32 $0x88, s3;
	s6 =	simm.s32 @!p1 $0x1082;
	[sflag:s4] =	ssyncset.s32 $0xFFFFF086  }
0x25: {  	[simem:s6], [sflag:s4] =	dma.local [hbm:s3], $0xF7A  }
0x26: {  	[smem:$0x3F9D] =	sst s1;
	(tag) =	ssettag s2;
	_ =	strace s9  }
0x27: {  	s1 =	sld [smem:$0x3FAD]  }
0x28: {  	s2 =	sld [smem:$0x3FAE]  }
0x29: {  	s4 =	sld [smem:$0x3FB0]  }
0x2a: {  	p0 =	seq.s32 s5, $0x0;
	s5 =	sld [smem:$0x3FB1]  }
0x2b: {  	s6 =	sld [smem:$0x3FB2]  }
0x2c: {  	s7 =	sld [smem:$0x3FB3]  }
0x2d: {  	s3 =	simm.s32 $0x108;
	s8 =	sld [smem:$0x3FB4]  }
0x2e: {  	s3 =	simm.s32 @!p0 $0x1082;
	s9 =	sld [smem:$0x3FB5]  }
0x2f: {  	lr =	sadd.s32 s0, s3;
	s0 =	sld [smem:$0x3FAC]  }
0x30: {  	s3 =	sld [smem:$0x3FAF]  }
0x31: {  	[smem:$0x3FB8] =	sst s10  }
0x32: {  	s10 =	sld [smem:$0x3FB6];
	_ =	sdelay $0x3  }
0x33: {  	p0 =	seq.s32 s10, $0x1;
	s10 =	sld [smem:$0x3FB8];
	_ =	sdelay $0x3  }
0x34: {  	[smem:$0x3FB8] =	sst s10  }
0x35: {  	s10 =	sld [smem:$0x3FB7];
	_ =	sdelay $0x3  }
0x36: {  	p1 =	seq.s32 s10, $0x1;
	s10 =	sld [smem:$0x3FB8];
	_ =	sdelay $0x3  }
0x37: {  	[smem:$0x3FB8] =	sst s10  }
0x38: {  	s10 =	sld [smem:$0x3FB9]  }
0x39: {  	_ = 	snop;
	(pc) =	sbr.ind lr, $3  }
0x3a: {  	_ = 	snop  }
0x3b: {  	_ = 	snop  }
0x3c: {  	p2 =	seq.s32 s10, $0x1;
	s10 =	sld [smem:$0x3FB8]  }
0x3d: {  	_ =	shalt  }
0x3e: {  	_ =	shalt  }
0x3f: {  	_ =	shalt  }
0x40: {  	_ =	shalt  }
0x41: {  	_ =	shalt  }
0x42: {  	_ =	shalt  }
0x43: {  	_ =	shalt  }
0x44: {  	_ =	shalt  }
0x45: {  	_ =	shalt  }
0x46: {  	_ =	shalt  }
0x47: {  	_ =	shalt  }
0x48: {  	_ =	shalt  }
0x49: {  	_ =	shalt  }
0x4a: {  	_ =	shalt  }
0x4b: {  	_ =	shalt  }
0x4c: {  	_ =	shalt  }
0x4d: {  	_ =	shalt  }
0x4e: {  	_ =	shalt  }
0x4f: {  	_ =	shalt  }
0x50: {  	_ =	shalt  }
0x51: {  	_ =	shalt  }
0x52: {  	_ =	shalt  }
0x53: {  	_ =	shalt  }
0x54: {  	_ =	shalt  }
0x55: {  	_ =	shalt  }
0x56: {  	_ =	shalt  }
0x57: {  	_ =	shalt  }
0x58: {  	_ =	shalt  }
0x59: {  	_ =	shalt  }
0x5a: {  	_ =	shalt  }
0x5b: {  	_ =	shalt  }
0x5c: {  	_ =	shalt  }
0x5d: {  	_ =	shalt  }
0x5e: {  	_ =	shalt  }
0x5f: {  	_ =	shalt  }
0x60: {  	_ =	shalt  }
0x61: {  	_ =	shalt  }
0x62: {  	_ =	shalt  }
0x63: {  	_ =	shalt  }
0x64: {  	_ =	shalt  }
0x65: {  	_ =	shalt  }
0x66: {  	_ =	shalt  }
0x67: {  	_ =	shalt  }
0x68: {  	_ =	shalt  }
0x69: {  	_ =	shalt  }
0x6a: {  	_ =	shalt  }
0x6b: {  	_ =	shalt  }
0x6c: {  	_ =	shalt  }
0x6d: {  	_ =	shalt  }
0x6e: {  	_ =	shalt  }
0x6f: {  	_ =	shalt  }
0x70: {  	_ =	shalt  }
0x71: {  	_ =	shalt  }
0x72: {  	_ =	shalt  }
0x73: {  	_ =	shalt  }
0x74: {  	_ =	shalt  }
0x75: {  	_ =	shalt  }
0x76: {  	_ =	shalt  }
0x77: {  	_ =	shalt  }
0x78: {  	_ =	shalt  }
0x79: {  	_ =	shalt  }
0x7a: {  	_ =	shalt  }
0x7b: {  	_ =	shalt  }
0x7c: {  	_ =	shalt  }
0x7d: {  	_ =	shalt  }
0x7e: {  	_ =	shalt  }
0x7f: {  	_ =	shalt  }
0x80: {  	_ =	shalt  }
0x81: {  	_ =	shalt  }
0x82: {  	_ =	shalt  }
0x83: {  	_ =	shalt  }
0x84: {  	_ =	shalt  }
0x85: {  	_ =	shalt  }
0x86: {  	_ =	shalt  }
0x87: {  	_ =	shalt  }
.Lfunc_end0:
.L_simem_size_0:
called_computation.1_lowered:
.L_overlay_start_0:
0x88: {  	s2 =	sld [smem:$0x3FD9]  }
0x89: {  	s3 =	sld [smem:$0x3FFE];
	_ =	sdelay $0x1  }
0x8a: {  	s1 =	srdreg.scid  }
0x8b: {  	s0 =	sand.u32 $0x1, s1  }
0x8c: {  	s17 =	sshll.u32 s0, $0xA;
	s2 =	sadd.s32 s3, s2  }
0x8d: {  	s2 =	sadd.s32 s2, s17  }
0x8e: {  	[smem:$0x3FC4] =	sst s2  }
0x8f: {  	_ = 	snop  }
0x90: {  	s2 =	sld [smem:$0x3FD0];
	(tm) =	ssettm $0x1  }
0x91: {  	s18 =	sld [smem:$0x3FFB];
	_ =	sdelay $0x3  }
0x92: {  	_ =	strace s18  }
0x93: {  	s3 =	sld [smem:$0x3FFC];
	_ =	sdelay $0x3  }
0x94: {  	_ =	strace s3  }
0x95: {  	s3 =	sld [smem:$0x3FFD];
	_ =	sdelay $0x3  }
0x96: {  	_ =	strace s3  }
0x97: {  	_ =	strace $0x8FFFFFFF  }
0x98: {  	s19 =	sld [smem:$0x3FDB];
	_ =	sdelay $0x1  }
0x99: {  	s4 =	simm.s32 $_scs_section_size  }
0x9a: {  	s5 =	simm.s32 $_size__tile_overlayer_lowered;
	s6 =	simm.s32 $_tile_overlayer_lowered  }
0x9b: {  	s22 =	simm.s32 $0x1BFF;
	s21 =	sshll.u32 s6, $0x1;
	s3 =	sadd.s32 s4, s19  }
0x9c: {  	s7 =	simm.s32 $0x0;
	s20 =	sshll.u32 s5, $0x1;
	s5 =	sadd.s32 s21, s3  }
0x9d: {  	[timem:s7], [sflag:s22] =	dma.local [hbm:s5], s20  }
0x9e: {  	_ =	swait.ge [sflag:s22], s20  }
0x9f: {  	s4 =	ssub.s32 $0x0, s20;
	[sflag:s22] =	ssyncset.done $0x0  }
0xa0: {  	[sflag:s22] =	ssyncadd.s32 s4;
	_ =	sdelay $0x1  }
0xa1: {  	s23 =	simm.s32 $0x1B8B  }
0xa2: {  	_ =	swait.ge [sflag:s23], $0x1  }
0xa3: {  	[sflag:s23] =	ssyncset.done $0x0  }
0xa4: {  	s25 =	simm.s32 $0x1B8E;
	s24 =	sld [smem:$0x3FFE];
	[sflag:s23] =	ssyncadd.s32 $0xFFFFFFFF  }
0xa5: {  	s26 =	simm.s32 $execute0_lowered;
	[smem:$0x3FD2] =	sst s25  }
0xa6: {  	s5 =	sshll.u32 s26, $0x1;
	_ =	strace $0x80000046;
	[dreg:$0x1] =	wrdreg $0xFFFFFFFF  }
0xa7: {  	s28 =	simm.s32 $_size_execute0_lowered;
	s3 =	sadd.s32 s3, s5;
	[dreg:$0x0] =	wrdreg $0x0  }
0xa8: {  	s5 =	sshll.u32 s28, $0x1;
	[dreg:$0x2] =	wrdreg s3  }
0xa9: {  	[dreg:$0x3] =	wrdreg s5  }
0xaa: {  	[dreg:$0x4] =	wrdreg $0xC0  }
0xab: {  	_ =	task [dreg:s7], $0x5FFFF  }
0xac: {  	[dreg:$0x1] =	wrdreg $0xFFFFFFFF  }
0xad: {  	[dreg:$0x0] =	wrdreg $0x60  }
0xae: {  	[dreg:$0x2] =	wrdreg s24  }
0xaf: {  	[dreg:$0x3] =	wrdreg s2  }
0xb0: {  	[dreg:$0x4] =	wrdreg $0x9  }
0xb1: {  	_ =	task.clear_ibuf [dreg:s7], $0x5FFFF;
	_ =	strace $0x90000046  }
0xb2: {  	s29 =	simm.s32 $0x9;
	_ =	strace $0x80000048  }
0xb3: {  	_ =	swait.ge [sflag:s29], $0x1  }
0xb4: {  	[sflag:s29] =	ssyncadd.s32 $0xFFFFFFFF  }
0xb5: {  	_ =	strace $0x90000048  }
0xb6: {  	_ =	sfence  }
0xb7: {  	s30 =	sld [smem:$0x0];
	_ =	sdelay $0x2  }
0xb8: {  	s31 =	sshll.u32 s1, $0xD;
	s1 =	sshrl.u32 s1, $0x2  }
0xb9: {  	s3 =	sand.u32 $0x4000, s31;
	s1 =	sadd.s32 s1, s30  }
0xba: {  	s0 =	sor.u32 s3, s0;
	s1 =	sshll.u32 s1, $0x11  }
0xbb: {  	s0 =	sor.u32 s1, s0  }
0xbc: {  	s0 =	sadd.s32 $0x8F2B, s0  }
0xbd: {  	[sflag:s0] =	ssyncadd.remote.s32 $0x1  }
0xbe: {  	_ =	sfence.sel $0xFFFF  }
0xbf: {  	[dreg:$0x0] =	wrdreg $0xFFFFFFFF;
	(pc) =	sbr.abs _section_cstart, $3  }
0xc0: {  	[dreg:$0x1] =	wrdreg $0xFFFFFFFF  }
0xc1: {  	_ =	task.clear_ibuf [dreg:s7], $0x2FFFF;
	_ =	strace $0x9FFFFFFF  }
0xc2: {  	(tm) =	ssettm $0x7FFFFFFF  }
0xc3: {  	_ =	shalt  }
tec
execute0_lowered:
.L_overlay_start_1:
0x0: {  	(tag) =	ssettag $0x1  }
0x1: {  	s0 =	rddreg [dreg:$0x0]  }
0x2: {  	s1 =	srdreg.scid;
	s12 =	stileid.u32  }
0x3: {  	s2 =	rddreg [dreg:$0x1];
	s3 =	simm.s32 $0x0;
	s15 =	simm.s32 $0x5F8  }
0x4: {  	s16 =	simm.s32 $0x18440;
	s17 =	simm.s32 $0x2;
	s18 =	simm.s32 $0x4  }
0x5: {  	s1 =	sand.u32 $0x1, s1;
	s4 =	sshll.u32 s12, $0x1;
	s23 =	smul.u32 $0x32000, s12  }
0x6: {  	[smem:$0x7FF] =	sst s3;
	s5 =	sadd.s32 $0xC00, s0;
	s28 =	smul.u32 $0x190000, s12  }
0x7: {  	s25 =	sshll.u32 s12, $0xA;
	s6 =	sor.u32 s1, s4;
	s24 =	smul.u32 $0x19000, s1  }
0x8: {  	s7 =	ssub.s32 $0x2, s1;
	s26 =	sshll.u32 s1, $0x9;
	s1 =	smul.u32 $0xC8000, s1  }
0x9: {  	_ =	strace $0x80000047;
	s4 =	sadd.s32 $0x2C00, s0;
	s8 =	smul.u32 $0x3200, s6  }
0xa: {  	s9 =	sshrl.u32 s7, $0x1;
	s20 =	sshll.u32 s6, $0x9;
	s6 =	smul.u32 $0xC8000, s6  }
0xb: {  	s14 =	sor.u32 s26, s25;
	s29 =	sadd.s32 s28, s2;
	s19 =	ssub.s32 s7, s9  }
0xc: {  	s10 =	sor.u32 $0x1FA, s20;
	s11 =	sor.u32 $0x1FE, s20;
	s1 =	sadd.s32 s1, s29  }
0xd: {  	s20 =	simm.s32 $0xC;
	s8 =	sadd.s32 s4, s8;
	s6 =	sadd.s32 s2, s6  }
0xe: {  	s0 =	smax.u32 s19, $0x1;
	s1 =	sadd.s32 $0x1900, s1;
	s19 =	simm.s32 $0x16440  }
0xf: {  	s21 =	sadd.s32 $0x32, s8;
	s22 =	sadd.s32 $0x64, s8;
	[dreg:$0x3] =	wrdreg s8  }
0x10: {  	s8 =	sadd.s32 $0x96, s8;
	[dreg:$0x7] =	wrdreg s0;
	s13 =	sadd.s32 $0xC6700, s6  }
0x11: {  	s0 =	sadd.s32 s24, s23;
	[dreg:$0x8] =	wrdreg s1;
	s24 =	simm.s32 $0x48  }
0x12: {  	s23 =	simm.s32 $0x8;
	s1 =	simm.s32 $0x0;
	[dreg:$0x4] =	wrdreg s21  }
.Ltmp0:
0x13: {  	[dreg:$0x5] =	wrdreg s22;
	s7 =	sor.u32 $0x960, s0;
	(pc) =	sbr.rel .LBB2_1-.Ltmp0, $4  }
0x14: {  	[dreg:$0x6] =	wrdreg s8;
	s0 =	sor.u32 $0x640, s0;
	s30 =	sshrl.u32 s7, $0x3  }
0x15: {  	s21 =	simm.s32 $0x4B0;
	s0 =	sshrl.u32 s0, $0x3;
	s31 =	sadd.s32 s30, s4  }
0x16: {  	s22 =	simm.s32 $0x80;
	s0 =	sadd.s32 s0, s4;
	[dreg:$0x9] =	wrdreg s31  }
0x17: {  	s8 =	simm.s32 $0x13240;
	s7 =	simm.s32 $0x1;
	[dreg:$0xa] =	wrdreg s0  }
.LBB2_6:
0x18: {  	s0 =	simm.s32 $0x9  }
0x19: {  	_ =	swait.ge [sflag:s0], $0x6400  }
0x1a: {  	[sflag:s0] =	ssyncset.done $0x0  }
0x1b: {  	s29 =	simm.s32 $0xA;
	[sflag:s0] =	ssyncadd.s32 $0xFFFF9C00  }
0x1c: {  	_ =	swait.ge [sflag:s29], $0x6400  }
0x1d: {  	[sflag:s29] =	ssyncset.done $0x0  }
0x1e: {  	s30 =	simm.s32 $0xB;
	[sflag:s29] =	ssyncadd.s32 $0xFFFF9C00  }
0x1f: {  	_ =	swait.ge [sflag:s30], $0x6400  }
0x20: {  	[sflag:s30] =	ssyncset.done $0x0  }
0x21: {  	[sflag:s30] =	ssyncadd.s32 $0xFFFF9C00  }
0x22: {  	_ =	swait.ge [sflag:s20], $0x6400  }
0x23: {  	s1 =	rddreg [dreg:$0xb]  }
0x24: {  	s31 =	rddreg [dreg:$0x7];
	s1 =	sadd.s32 $0x1, s1  }
0x25: {  	p0 =	sne.s32 s1, s31  }
.Ltmp1:
0x26: {  	_ = 	snop;
	(pc) =	sbr.rel @!p0 .LBB2_7-.Ltmp1, $3  }
0x27: {  	_ =	sdelay $0x1  }
0x28: {  	[sflag:s20] =	ssyncset.done $0x0  }
0x29: {  	[sflag:s20] =	ssyncadd.s32 $0xFFFF9C00  }
.LBB2_1:
0x2a: {  	[dreg:$0xb] =	wrdreg s1  }
0x2b: {  	s0 =	rddreg [dreg:$0x3];
	s25 =	simm.s32 $0xD  }
0x2c: {  	[tilespmem:s3], [sflag:$0xD] =	stream.linear.gather [hbm4b:s0+s3], $0x190, $0x38;
	[tilespmem:$0x19640] =	vst v63  }
0x2d: {  	_ =	swait.ge [sflag:s25], $0x190  }
0x2e: {  	[sflag:s25] =	ssyncset.done $0x0  }
0x2f: {  	s6 =	simm.s32 $0x190;
	s26 =	rddreg [dreg:$0x4];
	[sflag:s25] =	ssyncadd.s32 $0xFFFFFE70  }
0x30: {  	[tilespmem:s6], [sflag:$0xD] =	stream.linear.gather [hbm4b:s26+s3], $0x190, $0x38;
	[tilespmem:$0x19640] =	vst v63  }
0x31: {  	_ =	swait.ge [sflag:s25], $0x190  }
0x32: {  	[sflag:s25] =	ssyncset.done $0x0  }
0x33: {  	s9 =	simm.s32 $0x320;
	s28 =	rddreg [dreg:$0x5];
	[sflag:s25] =	ssyncadd.s32 $0xFFFFFE70  }
0x34: {  	[tilespmem:s9], [sflag:$0xD] =	stream.linear.gather [hbm4b:s28+s3], $0x190, $0x38;
	[tilespmem:$0x19640] =	vst v63  }
0x35: {  	_ =	swait.ge [sflag:s25], $0x190  }
0x36: {  	[sflag:s25] =	ssyncset.done $0x0  }
0x37: {  	s29 =	rddreg [dreg:$0x6];
	[sflag:s25] =	ssyncadd.s32 $0xFFFFFE70  }
0x38: {  	[tilespmem:s21], [sflag:$0xD] =	stream.linear.gather [hbm4b:s29+s3], $0x190, $0x38;
	[tilespmem:$0x19640] =	vst v63  }
0x39: {  	_ =	swait.ge [sflag:s25], $0x190  }
0x3a: {  	[sflag:s25] =	ssyncset.done $0x0  }
0x3b: {  	s9 =	simm.s32 $0x640;
	[sflag:s25] =	ssyncadd.s32 $0xFFFFFE70  }
0x3c: {  	[tilespmem:s9], [sflag:$0x1] =	stream.indirect.gather [hbm4b:s5+s22], $0x40, s3, s22, $0xb8;
	[tilespmem:$0x19640] =	vst v63  }
0x3d: {  	s12 =	simm.s32 $0x2640  }
0x3e: {  	[tilespmem:s12], [sflag:$0x1] =	stream.indirect.gather [hbm4b:s5+s24], $0x40, s22, s24, $0xb8;
	[tilespmem:$0x19640] =	vst v63  }
0x3f: {  	s26 =	simm.s32 $0x3840;
	s25 =	simm.s32 $0xC8  }
0x40: {  	[tilespmem:s26], [sflag:$0x1] =	stream.indirect.gather [hbm4b:s5+s22], $0x40, s25, s22, $0xb8;
	[tilespmem:$0x19640] =	vst v63  }
0x41: {  	s28 =	simm.s32 $0x148;
	s29 =	simm.s32 $0x5840  }
0x42: {  	[tilespmem:s29], [sflag:$0x1] =	stream.indirect.gather [hbm4b:s5+s24], $0x40, s28, s24, $0xb8;
	[tilespmem:$0x19640] =	vst v63  }
0x43: {  	s1 =	simm.s32 $0x6A40;
	s0 =	simm.s32 $0x0  }
0x44: {  	[tilespmem:s1], [sflag:$0x2] =	stream.indirect.gather [hbm4b:s5+s22], $0x40, s6, s22, $0xb8;
	[tilespmem:$0x19640] =	vst v63  }
0x45: {  	s31 =	rddreg [dreg:$0xa];
	s9 =	simm.s32 $0x210;
	s12 =	simm.s32 $0x8A40  }
0x46: {  	[tilespmem:s12], [sflag:$0x2] =	stream.indirect.gather [hbm4b:s5+s24], $0x40, s9, s24, $0xb8;
	[tilespmem:$0x19640] =	vst v63  }
0x47: {  	s30 =	rddreg [dreg:$0x9];
	s25 =	simm.s32 $0x258;
	s26 =	simm.s32 $0x9C40  }
0x48: {  	[tilespmem:s26], [sflag:$0x2] =	stream.indirect.gather [hbm4b:s5+s22], $0x40, s25, s22, $0xb8;
	[tilespmem:$0x19640] =	vst v63  }
0x49: {  	s28 =	simm.s32 $0x2D8;
	s29 =	simm.s32 $0xBC40;
	s1 =	rddreg [dreg:$0x8]  }
0x4a: {  	[tilespmem:s29], [sflag:$0x2] =	stream.indirect.gather [hbm4b:s5+s24], $0x40, s28, s24, $0xb8;
	[tilespmem:$0x19640] =	vst v63  }
.LBB2_2:
0x4b: {  	p0 =	seq.s32 s0, $0x0  }
0x4c: {  	s25 =	simm.s32 @!p0 $0xB  }
0x4d: {  	_ =	swait.ge @!p0 [sflag:s25], $0x6400  }
0x4e: {  	[sflag:s25] =	ssyncset.done @!p0 $0x0  }
0x4f: {  	[sflag:s25] =	ssyncadd.s32 @!p0 $0xFFFF9C00;
	s25 =	simm.s32 @!p0 $0x7  }
0x50: {  	_ =	swait.ge @!p0 [sflag:s25], $0x190  }
0x51: {  	[sflag:s25] =	ssyncset.done @!p0 $0x0  }
0x52: {  	s6 =	simm.s32 $0x320;
	s9 =	simm.s32 $0xCE40;
	[sflag:s25] =	ssyncadd.s32 @!p0 $0xFFFFFE70  }
0x53: {  	[tilespmem:s9], [sflag:$0x3] =	stream.indirect.gather [hbm4b:s5+s22], $0x40, s6, s22, $0xb8;
	[tilespmem:$0x19640] =	vst v63  }
0x54: {  	s12 =	simm.s32 $0x3A0;
	s25 =	simm.s32 $0xEE40  }
0x55: {  	[tilespmem:s25], [sflag:$0x3] =	stream.indirect.gather [hbm4b:s5+s24], $0x40, s12, s24, $0xb8;
	[tilespmem:$0x19640] =	vst v63  }
0x56: {  	s26 =	simm.s32 $0x3E8;
	s29 =	simm.s32 $0x10040;
	p0 =	seq.s32 s0, $0x1F8  }
0x57: {  	[tilespmem:s29], [sflag:$0x3] =	stream.indirect.gather [hbm4b:s5+s22], $0x40, s26, s22, $0xb8;
	[tilespmem:$0x19640] =	vst v63  }
0x58: {  	p1 =	seq.s32 @!p0 s0, $0x0;
	s12 =	simm.s32 $0x468;
	s25 =	simm.s32 $0x12040  }
0x59: {  	[tilespmem:s25], [sflag:$0x3] =	stream.indirect.gather [hbm4b:s5+s24], $0x40, s12, s24, $0xb8;
	[tilespmem:$0x19640] =	vst v63  }
0x5a: {  	p1 =	por p0, !p1;
	_ =	swait.ge [sflag:s7], $0x6400  }
.Ltmp2:
0x5b: {  	s26 =	sadd.s32 $0xFFFFE700, s1;
	[sflag:s7] =	ssyncset.done $0x0;
	(pc) =	sbr.rel @!p1 .LBB2_4-.Ltmp2, $4  }
0x5c: {  	s29 =	simm.s32 $0x640;
	s25 =	sadd.s32 @!p0 s0, s14;
	[sflag:s7] =	ssyncadd.s32 $0xFFFF9C00  }
0x5d: {  	[hbm4b:s26+s3] =	stream.linear.scatter [tilespmem:s29], [sflag:$0x9], $0x6400, $0x38;
	[tilespmem:$0x19640] =	vst v63  }
0x5e: {  	s28 =	sadd.s32 @!p0 $0x2, s25;
	s26 =	simm.s32 @!p0 $0x0  }
0x5f: {  	[tilespmem:s26], [sflag:$0x5] =	stream.linear.gather @!p0 [hbm4b:s31+s26], $0x190, $0x38;
	[tilespmem:$0x19640] =	vst v63  }
0x60: {  	_ =	swait.ge [sflag:s20], $0x6400  }
0x61: {  	[sflag:s20] =	ssyncset.done $0x0  }
0x62: {  	[sflag:s20] =	ssyncadd.s32 $0xFFFF9C00  }
0x63: {  	_ =	swait.ge [sflag:s23], $0x190  }
0x64: {  	[sflag:s23] =	ssyncset.done $0x0  }
0x65: {  	s28 =	smov.u32 @p0 s10;
	[sflag:s23] =	ssyncadd.s32 $0xFFFFFE70  }
.LBB2_4:
0x66: {  	[tilespmem:s8], [sflag:$0x4] =	stream.indirect.gather [hbm4b:s5+s22], $0x40, s21, s22, $0xb8;
	[tilespmem:$0x19640] =	vst v63  }
0x67: {  	s6 =	simm.s32 $0x530;
	s9 =	simm.s32 $0x15240  }
0x68: {  	[tilespmem:s9], [sflag:$0x4] =	stream.indirect.gather [hbm4b:s5+s24], $0x40, s6, s24, $0xb8;
	[tilespmem:$0x19640] =	vst v63  }
0x69: {  	s9 =	simm.s32 $0x578  }
0x6a: {  	[tilespmem:s19], [sflag:$0x4] =	stream.indirect.gather [hbm4b:s5+s22], $0x40, s9, s22, $0xb8;
	[tilespmem:$0x19640] =	vst v63  }
0x6b: {  	_ = 	snop  }
0x6c: {  	[tilespmem:s16], [sflag:$0x4] =	stream.indirect.gather [hbm4b:s5+s24], $0x40, s15, s24, $0xb8;
	[tilespmem:$0x19640] =	vst v63  }
0x6d: {  	s29 =	smul.u32 $0x640, s28;
	_ =	swait.ge [sflag:s17], $0x6400  }
0x6e: {  	[sflag:s17] =	ssyncset.done $0x0  }
0x6f: {  	s12 =	simm.s32 $0x6A40;
	s29 =	sadd.s32 s2, s29;
	[sflag:s17] =	ssyncadd.s32 $0xFFFF9C00  }
0x70: {  	[hbm4b:s29+s3] =	stream.linear.scatter [tilespmem:s12], [sflag:$0xA], $0x6400, $0x38;
	[tilespmem:$0x19640] =	vst v63  }
0x71: {  	s29 =	simm.s32 @p0 $0x3  }
0x72: {  	_ =	swait.ge @p0 [sflag:s29], $0x6400  }
0x73: {  	s28 =	smul.u32 @!p0 $0xC8, s28;
	[sflag:s29] =	ssyncset.done @p0 $0x0  }
0x74: {  	s9 =	simm.s32 @p0 $0xCE40;
	[sflag:s29] =	ssyncadd.s32 @p0 $0xFFFF9C00;
	s29 =	simm.s32 @p0 $0x0  }
0x75: {  	[hbm4b:s13+s29] =	stream.linear.scatter @p0 [tilespmem:s9], [sflag:$0xB], $0x6400, $0x38;
	[tilespmem:$0x19640] =	vst v63  }
0x76: {  	s9 =	sshrl.u32 @!p0 s28, $0x3  }
0x77: {  	s9 =	sadd.s32 @!p0 s4, s9  }
0x78: {  	s28 =	simm.s32 @!p0 $0x190;
	s9 =	sadd.s32 @!p0 $0xC8, s9  }
0x79: {  	[tilespmem:s28], [sflag:$0x6] =	stream.linear.gather @!p0 [hbm4b:s9+s26], $0x190, $0x38;
	[tilespmem:$0x19640] =	vst v63  }
0x7a: {  	s9 =	simm.s32 @!p0 $0x9  }
0x7b: {  	_ =	swait.ge @!p0 [sflag:s9], $0x6400  }
0x7c: {  	[sflag:s9] =	ssyncset.done @!p0 $0x0  }
0x7d: {  	[sflag:s9] =	ssyncadd.s32 @!p0 $0xFFFF9C00;
	s9 =	simm.s32 @!p0 $0x5  }
0x7e: {  	_ =	swait.ge @!p0 [sflag:s9], $0x190  }
0x7f: {  	[sflag:s9] =	ssyncset.done @!p0 $0x0  }
0x80: {  	s29 =	simm.s32 @!p0 $0x640;
	[sflag:s9] =	ssyncadd.s32 @!p0 $0xFFFFFE70;
	s9 =	simm.s32 @!p0 $0x80  }
0x81: {  	[tilespmem:s29], [sflag:$0x1] =	stream.indirect.gather @!p0 [hbm4b:s5+s9], $0x40, s26, s9, $0xb8;
	[tilespmem:$0x19640] =	vst v63  }
0x82: {  	s12 =	simm.s32 @!p0 $0x2640;
	s29 =	simm.s32 @!p0 $0x48  }
0x83: {  	[tilespmem:s12], [sflag:$0x1] =	stream.indirect.gather @!p0 [hbm4b:s5+s29], $0x40, s9, s29, $0xb8;
	[tilespmem:$0x19640] =	vst v63  }
0x84: {  	s6 =	simm.s32 @!p0 $0x3840;
	s12 =	simm.s32 @!p0 $0xC8  }
0x85: {  	[tilespmem:s6], [sflag:$0x1] =	stream.indirect.gather @!p0 [hbm4b:s5+s9], $0x40, s12, s9, $0xb8;
	[tilespmem:$0x19640] =	vst v63  }
0x86: {  	s6 =	simm.s32 @!p0 $0x148;
	s12 =	simm.s32 @!p0 $0x5840  }
0x87: {  	[tilespmem:s12], [sflag:$0x1] =	stream.indirect.gather @!p0 [hbm4b:s5+s29], $0x40, s6, s29, $0xb8;
	[tilespmem:$0x19640] =	vst v63  }
0x88: {  	s6 =	simm.s32 @!p0 $0x3  }
0x89: {  	_ =	swait.ge @!p0 [sflag:s6], $0x6400  }
0x8a: {  	[sflag:s6] =	ssyncset.done @!p0 $0x0  }
0x8b: {  	[sflag:s6] =	ssyncadd.s32 @!p0 $0xFFFF9C00;
	s6 =	simm.s32 @!p0 $0xCE40  }
0x8c: {  	[hbm4b:s1+s26] =	stream.linear.scatter @!p0 [tilespmem:s6], [sflag:$0xB], $0x6400, $0x38;
	[tilespmem:$0x19640] =	vst v63  }
0x8d: {  	s6 =	simm.s32 @!p0 $0x320  }
0x8e: {  	[tilespmem:s6], [sflag:$0x7] =	stream.linear.gather @!p0 [hbm4b:s30+s26], $0x190, $0x38;
	[tilespmem:$0x19640] =	vst v63  }
0x8f: {  	s6 =	simm.s32 @!p0 $0xA  }
0x90: {  	_ =	swait.ge @!p0 [sflag:s6], $0x6400  }
0x91: {  	[sflag:s6] =	ssyncset.done @!p0 $0x0  }
0x92: {  	[sflag:s6] =	ssyncadd.s32 @!p0 $0xFFFF9C00;
	s6 =	simm.s32 @!p0 $0x6  }
0x93: {  	_ =	swait.ge @!p0 [sflag:s6], $0x190  }
0x94: {  	[sflag:s6] =	ssyncset.done @!p0 $0x0  }
0x95: {  	[sflag:s6] =	ssyncadd.s32 @!p0 $0xFFFFFE70;
	s6 =	simm.s32 @!p0 $0x6A40  }
0x96: {  	[tilespmem:s6], [sflag:$0x2] =	stream.indirect.gather @!p0 [hbm4b:s5+s9], $0x40, s28, s9, $0xb8;
	[tilespmem:$0x19640] =	vst v63  }
0x97: {  	s12 =	simm.s32 @!p0 $0x8A40;
	s6 =	simm.s32 @!p0 $0x210  }
0x98: {  	[tilespmem:s12], [sflag:$0x2] =	stream.indirect.gather @!p0 [hbm4b:s5+s29], $0x40, s6, s29, $0xb8;
	[tilespmem:$0x19640] =	vst v63  }
0x99: {  	s6 =	simm.s32 @!p0 $0x258;
	s12 =	simm.s32 @!p0 $0x9C40  }
0x9a: {  	[tilespmem:s12], [sflag:$0x2] =	stream.indirect.gather @!p0 [hbm4b:s5+s9], $0x40, s6, s9, $0xb8;
	[tilespmem:$0x19640] =	vst v63  }
0x9b: {  	s25 =	sadd.s32 @!p0 $0x6, s25;
	s6 =	simm.s32 @!p0 $0x2D8;
	s9 =	simm.s32 @!p0 $0xBC40  }
0x9c: {  	[tilespmem:s9], [sflag:$0x2] =	stream.indirect.gather @!p0 [hbm4b:s5+s29], $0x40, s6, s29, $0xb8;
	[tilespmem:$0x19640] =	vst v63  }
.Ltmp3:
0x9d: {  	s25 =	smov.u32 @p0 s11;
	(pc) =	sbr.rel @p0 .LBB2_6-.Ltmp3, $4  }
0x9e: {  	s29 =	smul.u32 $0x640, s25;
	_ =	swait.ge [sflag:s18], $0x6400  }
0x9f: {  	[sflag:s18] =	ssyncset.done $0x0  }
0xa0: {  	s6 =	sadd.s32 s2, s29;
	[sflag:s18] =	ssyncadd.s32 $0xFFFF9C00  }
0xa1: {  	[hbm4b:s6+s3] =	stream.linear.scatter [tilespmem:s8], [sflag:$0xC], $0x6400, $0x38;
	[tilespmem:$0x19640] =	vst v63  }
0xa2: {  	s6 =	smul.u32 $0xC8, s25  }
.Ltmp4:
0xa3: {  	_ = 	snop;
	(pc) =	sbr.rel .LBB2_2-.Ltmp4, $4  }
0xa4: {  	s6 =	sshrl.u32 s6, $0x3  }
0xa5: {  	s0 =	sadd.s32 $0x8, s0;
	s1 =	sadd.s32 $0x3200, s1;
	s6 =	sadd.s32 s4, s6  }
0xa6: {  	s30 =	sadd.s32 $0xC8, s30;
	s31 =	sadd.s32 $0xC8, s31;
	s6 =	sadd.s32 $0xC8, s6  }
0xa7: {  	[tilespmem:s21], [sflag:$0x8] =	stream.linear.gather [hbm4b:s6+s3], $0x190, $0x38;
	[tilespmem:$0x19640] =	vst v63  }
.LBB2_7:
0xa8: {  	_ =	sfence.sel $0x180000  }
0xa9: {  	[bflag:$0x0] =	sbarrier.arrive $0xFFFF  }
0xaa: {  	_ =	strace $0x90000047  }
0xab: {  	s0 =	stileid.u32;
	[bflag:$0x2] =	sbarrier.arrive $0xFFFF  }
0xac: {  	p0 =	sne.s32 s0, $0x0;
	s0 =	rddreg [dreg:$0x2]  }
0xad: {  	s0 =	sadd.s32 @!p0 $0x100000, s0  }
0xae: {  	[sflag:s0] =	ssyncadd.tile.s32 @!p0 $0x1;
	_ =	shalt  }
.Lfunc_end2:
_tile_overlayer_lowered:
.L_overlay_start_2:
0xaf: {  	(tag) =	ssettag $0x2  }
0xb0: {  	s0 =	rddreg [dreg:$0x0];
	s2 =	stileid.u32  }
0xb1: {  	s1 =	rddreg [dreg:$0x1];
	p0 =	sne.s32 s2, $0x0  }
0xb2: {  	s3 =	rddreg [dreg:$0x2];
	[bflag:$0x3] =	sbarrier.arrive $0xFFFF;
	s2 =	simm.s32 @!p0 $0x1C0D  }
0xb3: {  	[timem:s3], [sflag:s2] =	dma.local @!p0 [hbm:s0], s1  }
0xb4: {  	s0 =	simm.s32 @!p0 $0xD  }
0xb5: {  	_ =	swait.ge @!p0 [sflag:s0], s1  }
0xb6: {  	s1 =	ssub.s32 @!p0 $0x0, s1;
	[sflag:s0] =	ssyncset.done @!p0 $0x0  }
0xb7: {  	[sflag:s0] =	ssyncadd.s32 @!p0 s1  }
0xb8: {  	[bflag:$0x3] =	sbarrier.arrive $0xFFFF  }
0xb9: {  	_ =	shalt  }

// kernel: sparse-core-data-format-call.cloned.1.call-start
scs
called_computation_lowered:
.L_overlay_start_0:
0x0: {  	s2 =	sld [smem:$0x3FD9]  }
0x1: {  	s3 =	sld [smem:$0x3FFE];
	_ =	sdelay $0x1  }
0x2: {  	s1 =	srdreg.scid  }
0x3: {  	s0 =	sand.u32 $0x1, s1  }
0x4: {  	s18 =	sshll.u32 s0, $0xA;
	s2 =	sadd.s32 s3, s2  }
0x5: {  	s2 =	sadd.s32 s2, s18  }
0x6: {  	[smem:$0x3FC4] =	sst s2  }
0x7: {  	_ = 	snop  }
0x8: {  	s2 =	sld [smem:$0x3FD0];
	(tm) =	ssettm $0x1  }
0x9: {  	s19 =	sld [smem:$0x3FFB];
	_ =	sdelay $0x3  }
0xa: {  	_ =	strace s19  }
0xb: {  	s3 =	sld [smem:$0x3FFC];
	_ =	sdelay $0x3  }
0xc: {  	_ =	strace s3  }
0xd: {  	s3 =	sld [smem:$0x3FFD];
	_ =	sdelay $0x3  }
0xe: {  	_ =	strace s3  }
0xf: {  	_ =	strace $0x8FFFFFFF  }
0x10: {  	s20 =	sld [smem:$0x3FDB];
	_ =	sdelay $0x1  }
0x11: {  	s4 =	simm.s32 $_scs_section_size  }
0x12: {  	s5 =	simm.s32 $_size__tile_overlayer_lowered;
	s6 =	simm.s32 $_tile_overlayer_lowered  }
0x13: {  	s23 =	simm.s32 $0x1BFF;
	s22 =	sshll.u32 s6, $0x1;
	s3 =	sadd.s32 s4, s20  }
0x14: {  	s7 =	simm.s32 $0x0;
	s21 =	sshll.u32 s5, $0x1;
	s5 =	sadd.s32 s22, s3  }
0x15: {  	[timem:s7], [sflag:s23] =	dma.local [hbm:s5], s21  }
0x16: {  	_ =	swait.ge [sflag:s23], s21  }
0x17: {  	s4 =	ssub.s32 $0x0, s21;
	[sflag:s23] =	ssyncset.done $0x0  }
0x18: {  	[sflag:s23] =	ssyncadd.s32 s4;
	_ =	sdelay $0x1  }
0x19: {  	s24 =	simm.s32 $0x1B8B  }
0x1a: {  	_ =	swait.ge [sflag:s24], $0x1  }
0x1b: {  	[sflag:s24] =	ssyncset.done $0x0  }
0x1c: {  	s26 =	simm.s32 $0x1B8E;
	s25 =	sld [smem:$0x3FFE];
	[sflag:s24] =	ssyncadd.s32 $0xFFFFFFFF  }
0x1d: {  	s27 =	simm.s32 $execute0_lowered;
	[smem:$0x3FD2] =	sst s26  }
0x1e: {  	s5 =	sshll.u32 s27, $0x1;
	_ =	strace $0x80000049;
	[dreg:$0x1] =	wrdreg $0xFFFFFFFF  }
0x1f: {  	s28 =	simm.s32 $_size_execute0_lowered;
	s3 =	sadd.s32 s3, s5;
	[dreg:$0x0] =	wrdreg $0x0  }
0x20: {  	s5 =	sshll.u32 s28, $0x1;
	[dreg:$0x2] =	wrdreg s3  }
0x21: {  	[dreg:$0x3] =	wrdreg s5  }
0x22: {  	[dreg:$0x4] =	wrdreg $0xC0  }
0x23: {  	_ =	task [dreg:s7], $0x5FFFF  }
0x24: {  	[dreg:$0x1] =	wrdreg $0xFFFFFFFF  }
0x25: {  	[dreg:$0x0] =	wrdreg $0x60  }
0x26: {  	[dreg:$0x2] =	wrdreg s25  }
0x27: {  	[dreg:$0x3] =	wrdreg s2  }
0x28: {  	[dreg:$0x4] =	wrdreg $0x9  }
0x29: {  	_ =	task.clear_ibuf [dreg:s7], $0x5FFFF;
	_ =	strace $0x90000049  }
0x2a: {  	s29 =	simm.s32 $0x9;
	_ =	strace $0x8000004B  }
0x2b: {  	_ =	swait.ge [sflag:s29], $0x1  }
0x2c: {  	[sflag:s29] =	ssyncadd.s32 $0xFFFFFFFF  }
0x2d: {  	_ =	strace $0x9000004B  }
0x2e: {  	_ =	sfence  }
0x2f: {  	s30 =	sld [smem:$0x0];
	_ =	sdelay $0x2  }
0x30: {  	s31 =	sshll.u32 s1, $0xD;
	s1 =	sshrl.u32 s1, $0x2  }
0x31: {  	s3 =	sand.u32 $0x4000, s31;
	s1 =	sadd.s32 s1, s30  }
0x32: {  	s0 =	sor.u32 s3, s0;
	s1 =	sshll.u32 s1, $0x11  }
0x33: {  	s0 =	sor.u32 s1, s0  }
0x34: {  	s0 =	sadd.s32 $0x8F2B, s0  }
0x35: {  	[sflag:s0] =	ssyncadd.remote.s32 $0x1  }
0x36: {  	_ =	sfence.sel $0xFFFF  }
0x37: {  	[dreg:$0x0] =	wrdreg $0xFFFFFFFF;
	(pc) =	sbr.abs _section_cstart, $3  }
0x38: {  	[dreg:$0x1] =	wrdreg $0xFFFFFFFF  }
0x39: {  	_ =	task.clear_ibuf [dreg:s7], $0x2FFFF;
	_ =	strace $0x9FFFFFFF  }
0x3a: {  	(tm) =	ssettm $0x7FFFFFFF  }
0x3b: {  	_ =	shalt  }
tec
execute0_lowered:
.L_overlay_start_1:
0x0: {  	(tag) =	ssettag $0x1  }
0x1: {  	s0 =	srdreg.scid  }
0x2: {  	s1 =	sshll.u32 s0, $0x4  }
0x3: {  	s0 =	stileid.u32;
	s1 =	sand.u32 $0x10, s1  }
0x4: {  	s1 =	sor.u32 s0, s1  }
0x5: {  	s6 =	rddreg [dreg:$0x0];
	s4 =	simm.s32 $0x1;
	s2 =	sshll.u32 s1, $0x7  }
0x6: {  	s7 =	simm.s32 $0x2;
	s12 =	simm.s32 $0x0;
	s1 =	ssub.s32 $0x4000, s2  }
0x7: {  	s8 =	simm.s32 $0x20000;
	s13 =	simm.s32 $0x0;
	s3 =	sand.u32 $0xF80, s1  }
0x8: {  	s9 =	simm.s32 $0x0;
	s5 =	sshrl.u32 s1, $0xC;
	p0 =	sne.s32 s3, $0x0  }
.Ltmp0:
0x9: {  	s1 =	rddreg [dreg:$0x2];
	s4 =	simm.s32 @!p0 $0x0;
	(pc) =	sbr.rel .LBB1_1-.Ltmp0, $4  }
0xa: {  	s11 =	simm.s32 $0x0;
	s3 =	rddreg [dreg:$0x1];
	s5 =	sadd.s32 s4, s5  }
0xb: {  	_ =	strace $0x8000004A;
	s4 =	simm.s32 $0x1;
	s5 =	smul.u32 $0xC8, s5  }
0xc: {  	s6 =	sadd.s32 $0xC00, s6;
	s10 =	smov.u32 s2;
	[sflag:s4] =	ssyncpa.u1 $0x0  }
0xd: {  	p0 =	por $0x0, $0x0;
	[sflag:s7] =	ssyncpa.u1 $0x0;
	s7 =	sor.u32 $0x1, s5  }
.LBB1_4:
0xe: {  	s16 =	sshll.u32 s13, $0x3;
	s17 =	sand.u32 $0x78, s13  }
0xf: {  	s30 =	sand.u32 $0x1F800, s13;
	s12 =	sshll.u32 s12, $0x11;
	s16 =	sand.u32 $0x3C00, s16  }
0x10: {  	[tilespmem:s15+$0x810 ss:$0x81] =	vst.msk $0xffff, v2;
	s31 =	sand.u32 $0x7, s13;
	s16 =	sor.u32 s17, s16;
	s17 =	sadd.s32 s3, s30  }
0x11: {  	[tilespmem:s15+$0x1020 ss:$0x81] =	vst.msk $0xffff, v0;
	s13 =	sshll.u32 s31, $0x12;
	s12 =	sadd.s32 s12, s17;
	s16 =	sshrl.u32 s16, $0x3  }
0x12: {  	[tilespmem:s15+$0x0 ss:$0x81] =	vst.msk $0xffff, v1;
	s13 =	sor.u32 $0x400, s13;
	s12 =	sadd.s32 s16, s12  }
0x13: {  	[hbm4b:s12+s13] =	stream.strided.scatter [tilespmem:s14], [sflag:$0x2], $0x2000, s8, s13, $0x20;
	[tilespmem:$0x8080] =	vst v63  }
.LBB1_5:
0x14: {  	s14 =	sadd.s32 $0x1, s9  }
0x15: {  	s12 =	sadd.s32 $0x1000, s10;
	s16 =	smov.u32 s10;
	p2 =	sgt.s32 s14, $0xC7  }
0x16: {  	s16 =	smov.u32 @p2 s12  }
0x17: {  	s14 =	simm.s32 @p2 $0x0;
	p2 =	sgt.s32 s16, $0x3FFF  }
0x18: {  	s16 =	smov.u32 @p2 s2;
	p2 =	sne.s32 s11, s7  }
.Ltmp1:
0x19: {  	p1 =	slt.u32 s11, $0x2;
	(pc) =	sbr.rel @!p2 .LBB1_6-.Ltmp1, $4  }
0x1a: {  	s15 =	simm.s32 @!p1 $0x2  }
0x1b: {  	s13 =	smov.u32 s10;
	p0 =	por !p0, !p0;
	_ =	swait.ge @!p1 [sflag:s15], $0x2000  }
0x1c: {  	s12 =	smov.u32 s9;
	[sflag:s15] =	ssyncset.done @!p1 $0x0;
	s9 =	smov.u32 s14  }
0x1d: {  	s11 =	sadd.s32 $0x1, s11;
	[sflag:s15] =	ssyncadd.s32 @!p1 $0xFFFFE000;
	s10 =	smov.u32 s16  }
.LBB1_1:
0x1e: {  	p1 =	sge.u32 s11, s5  }
0x1f: {  	s14 =	sand.u32 @!p1 $0x1FFFFFF, s9  }
0x20: {  	s15 =	smulhi.u32 @!p1 $0x147AE15, s14;
	_ =	sdelay $0x1  }
0x21: {  	s15 =	smul.u32 @!p1 $0xC8, s15  }
0x22: {  	s16 =	sxor.u32 @!p1 $0xFFFFFFFF, s11;
	s17 =	smul.u32 @!p1 $0xC80, s10  }
0x23: {  	s31 =	sadd.s32 $0xFFFFFFFF, s11;
	s16 =	sshll.u32 @!p1 s16, $0xD;
	s14 =	ssub.s32 @!p1 s14, s15  }
0x24: {  	s15 =	sand.u32 @!p1 $0x2000, s16;
	s16 =	sadd.s32 @!p1 s6, s17;
	s14 =	sshll.u32 @!p1 s14, $0x4  }
0x25: {  	s17 =	simm.s32 @!p1 $0x6400;
	s14 =	sadd.s32 @!p1 s14, s16;
	s16 =	simm.s32 @!p1 $0x40  }
0x26: {  	[tilespmem:s15], [sflag:$0x1] =	stream.strided.gather @!p1 [hbm4b:s14+s16], $0x2000, s17, s16, $0x38;
	[tilespmem:$0x8080] =	vst v63  }
0x27: {  	p1 =	sge.u32 s31, s5  }
.Ltmp2:
0x28: {  	_ = 	snop;
	(pc) =	sbr.rel @p1 .LBB1_5-.Ltmp2, $1  }
0x29: {  	_ =	sdelay $0x3  }
0x2a: {  	s14 =	simm.s32 $0x1  }
0x2b: {  	_ =	swait.ge [sflag:s4], $0x2000;
	s14 =	simm.s32 @!p0 $0x0  }
0x2c: {  	[sflag:s4] =	ssyncset.done $0x0;
	s15 =	sshll.u32 s14, $0xD  }
0x2d: {  	[sflag:s4] =	ssyncadd.s32 $0xFFFFE000;
	s18 =	sor.u32 $0x20, s15  }
0x2e: {  	s14 =	smul.u32 $0x8100, s14;
	v3 =	vld [tilespmem:s18+$0x10]  }
0x2f: {  	s30 =	sand.u32 $0x1, s11;
	v2 =	vld [tilespmem:s18+$0xFFFFFFF0]  }
0x30: {  	s15 =	smul.u32 $0x8100, s30;
	s14 =	sshrl.u32 s14, $0x2;
	v0 =	vld [tilespmem:s18+$0x0]  }
0x31: {  	v1 =	vld [tilespmem:s18+$0xFFFFFFE0];
	s16 =	sor.u32 $0x4000, s14  }
0x32: {  	s31 =	sshrl.u32 s15, $0x2;
	s15 =	sadd.s32 $0x0, s16  }
0x33: {  	s17 =	simm.s32 $0x4;
	s18 =	sadd.s32 $0x40, s18;
	s14 =	sor.u32 $0x4000, s31;
	[tilespmem:s15+$0x1830 ss:$0x81] =	vst.msk $0xffff, v3  }
.LBB1_3:
0x34: {  	v3 =	vld [tilespmem:s18+$0x10];
	p1 =	sne.s32 s17, $0x1FC;
	[tilespmem:s15+$0x810 ss:$0x81] =	vst.msk $0xffff, v2;
	s19 =	smov.u32 s17;
	s17 =	sadd.s32 $0x4, s17  }
.Ltmp3:
0x35: {  	v2 =	vld [tilespmem:s18+$0xFFFFFFF0];
	[tilespmem:s15+$0x1020 ss:$0x81] =	vst.msk $0xffff, v0;
	(pc) =	sbr.rel @p1 .LBB1_3-.Ltmp3, $4  }
0x36: {  	v0 =	vld [tilespmem:s18+$0x0];
	[tilespmem:s15+$0x0 ss:$0x81] =	vst.msk $0xffff, v1  }
0x37: {  	s15 =	sshra.s32 s19, $0x2;
	v1 =	vld [tilespmem:s18+$0xFFFFFFE0]  }
0x38: {  	s15 =	sadd.s32 s15, s16  }
0x39: {  	s18 =	sadd.s32 $0x40, s18;
	[tilespmem:s15+$0x1830 ss:$0x81] =	vst.msk $0xffff, v3  }
.Ltmp4:
0x3a: {  	_ = 	snop;
	(pc) =	sbr.rel .LBB1_4-.Ltmp4, $1  }
0x3b: {  	_ =	sdelay $0x3  }
.LBB1_6:
0x3c: {  	_ =	sfence.sel $0x180000  }
0x3d: {  	s2 =	simm.s32 $0x1;
	[bflag:$0x0] =	sbarrier.arrive $0xFFFF  }
0x3e: {  	s31 =	simm.s32 $0x2;
	[sflag:s2] =	ssyncpa.u1 $0x1  }
0x3f: {  	[sflag:s31] =	ssyncpa.u1 $0x1  }
0x40: {  	p0 =	sne.s32 s0, $0x0;
	_ =	strace $0x9000004A  }
0x41: {  	s0 =	sadd.s32 @!p0 $0x100000, s1;
	[bflag:$0x2] =	sbarrier.arrive $0xFFFF  }
0x42: {  	[sflag:s0] =	ssyncadd.tile.s32 @!p0 $0x1;
	_ =	shalt  }
.Lfunc_end1:
_tile_overlayer_lowered:
.L_overlay_start_2:
0x43: {  	(tag) =	ssettag $0x2  }
0x44: {  	s0 =	rddreg [dreg:$0x0];
	s2 =	stileid.u32  }
0x45: {  	s1 =	rddreg [dreg:$0x1];
	p0 =	sne.s32 s2, $0x0  }
0x46: {  	s3 =	rddreg [dreg:$0x2];
	[bflag:$0x3] =	sbarrier.arrive $0xFFFF;
	s2 =	simm.s32 @!p0 $0x1C01  }
0x47: {  	[timem:s3], [sflag:s2] =	dma.local @!p0 [hbm:s0], s1  }
0x48: {  	s0 =	simm.s32 @!p0 $0x1  }
0x49: {  	_ =	swait.ge @!p0 [sflag:s0], s1  }
0x4a: {  	s1 =	ssub.s32 @!p0 $0x0, s1;
	[sflag:s0] =	ssyncset.done @!p0 $0x0  }
0x4b: {  	[sflag:s0] =	ssyncadd.s32 @!p0 s1  }
0x4c: {  	[bflag:$0x3] =	sbarrier.arrive $0xFFFF  }
0x4d: {  	_ =	shalt  }

</sc_bundles>
